<compile_context>
chip_gen: v7x
topology: tpu7x:2x2x1
jax: 0.10.2.dev20260603
libtpu: 0.0.44.dev20260713+nightly
codegen_flags: <defaults>
</compile_context>

<pallas_src>
import functools

import jax
import jax.numpy as jnp
from jax import lax
from jax.experimental import pallas as pl
from jax.experimental.pallas import tpu as pltpu
from jax.experimental.pallas import tpu_sc as plsc

_NUM_CORES = 2
_NUM_SUBCORES = 16
_CHUNK = 400


@functools.lru_cache(maxsize=None)
def _sc_aggregate(n, d, e):
    dh = d // 2
    per_tile = e // _NUM_SUBCORES
    chunks = per_tile // _CHUNK
    half_chunks = chunks // 2
    rows_per_sub = n // _NUM_SUBCORES

    mesh = plsc.VectorSubcoreMesh(core_axis_name="c", subcore_axis_name="s",
                                  num_cores=_NUM_CORES,
                                  num_subcores=_NUM_SUBCORES)

    @functools.partial(
        pl.kernel,
        compiler_params=pltpu.CompilerParams(use_tc_tiling_on_sc=False),
        out_type=[
            jax.ShapeDtypeStruct((n, d), jnp.float32),
            jax.ShapeDtypeStruct((_NUM_CORES, n, 8), jnp.float32),
        ],
        mesh=mesh,
        scratch_types=[
            pltpu.VMEM((2, _CHUNK), jnp.int32),
            pltpu.VMEM((2, _CHUNK), jnp.int32),
            pltpu.VMEM((2, _CHUNK, dh), jnp.float32),
            pltpu.VMEM((_CHUNK, 8), jnp.float32),
            pltpu.VMEM_SHARED((n, dh), jnp.float32),
            pltpu.VMEM_SHARED((n, 8), jnp.float32),
            pltpu.SemaphoreType.DMA,
            pltpu.SemaphoreType.DMA,
        ],
    )
    def agg(xr_hbm, src2_hbm, dst_hbm, zrow_hbm, zcnt_hbm, ones_hbm,
            part_hbm, cnt_hbm, src_v, dst_v, rows_v, ones_v, acc_sh, cnt_sh,
            gsem0, gsem1):
        i32 = lambda v: jnp.int32(v)
        c = lax.convert_element_type(lax.axis_index("c"), jnp.int32)
        s = lax.convert_element_type(lax.axis_index("s"), jnp.int32)
        row0 = s * i32(rows_per_sub)

        pltpu.sync_copy(zrow_hbm, acc_sh.at[pl.ds(row0, rows_per_sub)])
        pltpu.sync_copy(zcnt_hbm, cnt_sh.at[pl.ds(row0, rows_per_sub)])
        pltpu.sync_copy(ones_hbm, ones_v)
        plsc.subcore_barrier()

        ebase = s * i32(per_tile)
        bufs = (
            (src_v.at[0], dst_v.at[0], rows_v.at[0], gsem0),
            (src_v.at[1], dst_v.at[1], rows_v.at[1], gsem1),
        )

        def load_and_gather(chunk_i, k):
            sv, dv, rv, sem = bufs[k]
            off = ebase + chunk_i * i32(_CHUNK)
            pltpu.sync_copy(src2_hbm.at[c, pl.ds(off, _CHUNK)], sv)
            pltpu.sync_copy(dst_hbm.at[pl.ds(off, _CHUNK)], dv)
            pltpu.async_copy(xr_hbm.at[sv], rv, sem)

        def drain_and_scatter(chunk_i, k):
            sv, dv, rv, sem = bufs[k]
            pltpu.make_async_copy(xr_hbm.at[sv], rv, sem).wait()
            pltpu.sync_copy(rv, acc_sh.at[dv], add=True)
            count_here = (chunk_i < i32(half_chunks)) == (c == 0)

            @pl.when(count_here)
            def _():
                pltpu.sync_copy(ones_v, cnt_sh.at[dv], add=True)

        load_and_gather(i32(0), 0)
        load_and_gather(i32(1), 1)

        @pl.loop(0, half_chunks)
        def _(t):
            t = lax.convert_element_type(t, jnp.int32)
            a = t * i32(2)
            drain_and_scatter(a, 0)

            @pl.when(a + i32(2) < i32(chunks))
            def _():
                load_and_gather(a + i32(2), 0)

            drain_and_scatter(a + i32(1), 1)

            @pl.when(a + i32(3) < i32(chunks))
            def _():
                load_and_gather(a + i32(3), 1)

        plsc.subcore_barrier()
        pltpu.sync_copy(acc_sh.at[pl.ds(row0, rows_per_sub)],
                        part_hbm.at[pl.ds(row0, rows_per_sub),
                                    pl.ds(c * i32(dh), dh)])
        pltpu.sync_copy(cnt_sh.at[pl.ds(row0, rows_per_sub)],
                        cnt_hbm.at[c, pl.ds(row0, rows_per_sub)])

    return agg


def _tc_self_body(x_ref, ws_ref, b_ref, o_ref):
    hp = lax.Precision.DEFAULT
    dn = (((1,), (0,)), ((), ()))
    o_ref[...] = lax.dot_general(x_ref[...], ws_ref[...], dn, precision=hp,
                                 preferred_element_type=jnp.float32) + b_ref[...]


def _tc_finish_body(xw_ref, p_ref, c_ref, wn_ref, o_ref):
    deg = jnp.maximum(c_ref[0, :, 0:1] + c_ref[1, :, 0:1], 1.0)
    h = p_ref[...] / deg
    dn = (((1,), (0,)), ((), ()))
    acc = lax.dot_general(h, wn_ref[...], dn, precision=lax.Precision.DEFAULT,
                          preferred_element_type=jnp.float32)
    o_ref[...] = jnp.maximum(acc + xw_ref[...], 0.0)


def kernel(x, edge_index, W_self, W_neigh, b):
    with jax.enable_x64(False):
        return _kernel_32(x, edge_index, W_self, W_neigh, b)


def _kernel_32(x, edge_index, W_self, W_neigh, b):
    n, d = x.shape
    e = edge_index.shape[1]
    dh = d // 2

    ei32 = lax.bitcast_convert_type(edge_index, jnp.int32)
    eit = jnp.transpose(ei32, (0, 2, 1))
    src = eit[0, 0]
    dst = eit[1, 0]
    src2 = jnp.stack([2 * src, 2 * src + 1])

    xr = jnp.reshape(x, (2 * n, dh))
    rows_per_sub = n // _NUM_SUBCORES
    zrow = jnp.zeros((rows_per_sub, dh), jnp.float32)
    zcnt = jnp.zeros((rows_per_sub, 8), jnp.float32)
    ones = jnp.ones((_CHUNK, 8), jnp.float32)

    part, cnt = _sc_aggregate(n, d, e)(xr, src2, dst, zrow, zcnt, ones)

    bl = 1000
    grid = (n // bl,)
    xw = pl.pallas_call(
        _tc_self_body,
        grid=grid,
        in_specs=[
            pl.BlockSpec((bl, d), lambda i: (i, 0)),
            pl.BlockSpec((d, d), lambda i: (0, 0)),
            pl.BlockSpec((1, d), lambda i: (0, 0)),
        ],
        out_specs=pl.BlockSpec((bl, d), lambda i: (i, 0)),
        out_shape=jax.ShapeDtypeStruct((n, d), jnp.float32),
    )(x, W_self, b.reshape(1, d).astype(jnp.float32))

    out = pl.pallas_call(
        _tc_finish_body,
        grid=grid,
        in_specs=[
            pl.BlockSpec((bl, d), lambda i: (i, 0)),
            pl.BlockSpec((bl, d), lambda i: (i, 0)),
            pl.BlockSpec((_NUM_CORES, bl, 8), lambda i: (0, i, 0)),
            pl.BlockSpec((d, d), lambda i: (0, 0)),
        ],
        out_specs=pl.BlockSpec((bl, d), lambda i: (i, 0)),
        out_shape=jax.ShapeDtypeStruct((n, d), jnp.float32),
    )(xw, part, cnt, W_neigh)
    return out

# --- scband reference (transcript-rebuilt; emitter-appended) ---
"""Pipeline reference for scband-sageconv-7181185319698 (READ-ONLY COPY).

The authoritative reference and input builder live on the scoring server;
editing this copy changes nothing except your own understanding.
"""

import jax
from jax import config
config.update('jax_enable_x64', True)
import jax.numpy as jnp
import numpy as np

N = 10000
E = 320000
D = 128


def setup_inputs(seed: int = 0) -> dict:
    key = jax.random.key(seed)
    k1, k2, k3, k4, k5 = jax.random.split(key, 5)
    x = jax.random.normal(k1, (N, D), dtype=jnp.float32)
    edge_index = jax.random.randint(k2, (2, E), 0, N, dtype=jnp.int64)
    # Learned parameters of dgl SAGEConv (mean aggregator):
    # fc_self: [in_feat, out_feat], fc_neigh: [in_feat, out_feat], bias: [out_feat]
    W_self = jax.random.normal(k3, (D, D), dtype=jnp.float32) * 0.05
    W_neigh = jax.random.normal(k4, (D, D), dtype=jnp.float32) * 0.05
    b = jax.random.normal(k5, (D,), dtype=jnp.float32) * 0.05
    return {'x': x, 'edge_index': edge_index, 'W_self': W_self, 'W_neigh': W_neigh, 'b': b}


def reference(x, edge_index, W_self, W_neigh, b):
    # dgl SAGEConv with aggregator_type='mean':
    #   h_neigh = mean_{u in N(v)} x_u  (gather on src, scatter-mean on dst)
    #   rst     = fc_self(h_self) + fc_neigh(h_neigh) + bias
    # followed by activation=F.relu from the wrapper.
    src = edge_index[0]
    dst = edge_index[1]
    msg = jnp.take(x, src, axis=0)                       # gather: [E, D]
    s = jax.ops.segment_sum(msg, dst, num_segments=N)    # scatter-add: [N, D]
    cnt = jax.ops.segment_sum(jnp.ones((E, 1), dtype=x.dtype), dst, num_segments=N)
    h_neigh = s / jnp.maximum(cnt, 1.0)                  # mean; zero in-degree -> 0
    rst = x @ W_self + h_neigh @ W_neigh + b
    return jax.nn.relu(rst)

if __name__ == "__main__":
    import jax
    _d = setup_inputs()
    print(jax.jit(kernel)(*tuple(_d.values())))

</pallas_src>

<mosaic_0001>
#map = affine_map<(d0, d1) -> (0, 0)>
#map1 = affine_map<(d0, d1) -> (0)>
#map2 = affine_map<(d0, d1) -> (0, 0, 0)>
module attributes {stable_mosaic.version = 14 : i64} {
  func.func @agg(%arg0: i32, %arg1: i32, %arg2: memref<20000x64xf32, #tpu.memory_space<hbm>>, %arg3: memref<2x320000xi32, #tpu.memory_space<hbm>>, %arg4: memref<320000xi32, #tpu.memory_space<hbm>>, %arg5: memref<625x64xf32, #tpu.memory_space<hbm>>, %arg6: memref<625x8xf32, #tpu.memory_space<hbm>>, %arg7: memref<400x8xf32, #tpu.memory_space<hbm>>, %arg8: memref<10000x128xf32, #tpu.memory_space<hbm>>, %arg9: memref<2x10000x8xf32, #tpu.memory_space<hbm>>, %arg10: memref<2x400xi32, #tpu.memory_space<vmem>>, %arg11: memref<2x400xi32, #tpu.memory_space<vmem>>, %arg12: memref<2x400x64xf32, #tpu.memory_space<vmem>>, %arg13: memref<400x8xf32, #tpu.memory_space<vmem>>, %arg14: memref<10000x64xf32, #tpu.memory_space<vmem_shared>>, %arg15: memref<10000x8xf32, #tpu.memory_space<vmem_shared>>, %arg16: memref<!tpu.dma_semaphore, #tpu.memory_space<semaphore_mem>>, %arg17: memref<!tpu.dma_semaphore, #tpu.memory_space<semaphore_mem>>) attributes {dimension_semantics = [#tpu.dimension_semantics<core_parallel>, #tpu.dimension_semantics<subcore_parallel>], iteration_bounds = array<i64: 2, 16>, scalar_prefetch = 0 : i64, scratch_operands = 8 : i64, tpu.core_type = #tpu.core_type<sc_vector_subcore>, window_params = [{transform_indices = #map}, {transform_indices = #map}, {transform_indices = #map1}, {transform_indices = #map}, {transform_indices = #map}, {transform_indices = #map}, {transform_indices = #map}, {transform_indices = #map2}]} {
    %mul3A = arith.constant 625 : i32
    %mul3A_0 = arith.muli %arg1, %mul3A : i32
    "tpu.region"() ({
      %run_scoped3A_49 = tpu.sem_alloc : memref<!tpu.dma_semaphore, #tpu.memory_space<semaphore_mem>>
      %dma_start3A_50 = arith.constant 0 : i32
      %dma_start3A_51 = tpu.memref_slice %arg14[%mul3A_0, %dma_start3A_50] : memref<10000x64xf32, #tpu.memory_space<vmem_shared>> -> memref<625x64xf32, #tpu.memory_space<vmem_shared>>
      tpu.enqueue_dma source(%arg5 : memref<625x64xf32, #tpu.memory_space<hbm>>) target(%dma_start3A_51 : memref<625x64xf32, #tpu.memory_space<vmem_shared>>) target_semaphore(%run_scoped3A_49 : memref<!tpu.dma_semaphore, #tpu.memory_space<semaphore_mem>>)
      %dma_wait3A = arith.constant 0 : i32
      %dma_wait3A_52 = tpu.memref_slice %arg14[%mul3A_0, %dma_wait3A] : memref<10000x64xf32, #tpu.memory_space<vmem_shared>> -> memref<625x64xf32, #tpu.memory_space<vmem_shared>>
      tpu.wait_dma2 semaphore(%run_scoped3A_49 : memref<!tpu.dma_semaphore, #tpu.memory_space<semaphore_mem>>) src(%arg5 : memref<625x64xf32, #tpu.memory_space<hbm>>) dst(%dma_wait3A_52 : memref<625x64xf32, #tpu.memory_space<vmem_shared>>)
      tpu.yield
    }) : () -> ()
    "tpu.region"() ({
      %run_scoped3A_49 = tpu.sem_alloc : memref<!tpu.dma_semaphore, #tpu.memory_space<semaphore_mem>>
      %dma_start3A_50 = arith.constant 0 : i32
      %dma_start3A_51 = tpu.memref_slice %arg15[%mul3A_0, %dma_start3A_50] : memref<10000x8xf32, #tpu.memory_space<vmem_shared>> -> memref<625x8xf32, #tpu.memory_space<vmem_shared>>
      tpu.enqueue_dma source(%arg6 : memref<625x8xf32, #tpu.memory_space<hbm>>) target(%dma_start3A_51 : memref<625x8xf32, #tpu.memory_space<vmem_shared>>) target_semaphore(%run_scoped3A_49 : memref<!tpu.dma_semaphore, #tpu.memory_space<semaphore_mem>>)
      %dma_wait3A = arith.constant 0 : i32
      %dma_wait3A_52 = tpu.memref_slice %arg15[%mul3A_0, %dma_wait3A] : memref<10000x8xf32, #tpu.memory_space<vmem_shared>> -> memref<625x8xf32, #tpu.memory_space<vmem_shared>>
      tpu.wait_dma2 semaphore(%run_scoped3A_49 : memref<!tpu.dma_semaphore, #tpu.memory_space<semaphore_mem>>) src(%arg6 : memref<625x8xf32, #tpu.memory_space<hbm>>) dst(%dma_wait3A_52 : memref<625x8xf32, #tpu.memory_space<vmem_shared>>)
      tpu.yield
    }) : () -> ()
    "tpu.region"() ({
      %run_scoped3A_49 = tpu.sem_alloc : memref<!tpu.dma_semaphore, #tpu.memory_space<semaphore_mem>>
      tpu.enqueue_dma source(%arg7 : memref<400x8xf32, #tpu.memory_space<hbm>>) target(%arg13 : memref<400x8xf32, #tpu.memory_space<vmem>>) target_semaphore(%run_scoped3A_49 : memref<!tpu.dma_semaphore, #tpu.memory_space<semaphore_mem>>)
      tpu.wait_dma2 semaphore(%run_scoped3A_49 : memref<!tpu.dma_semaphore, #tpu.memory_space<semaphore_mem>>) src(%arg7 : memref<400x8xf32, #tpu.memory_space<hbm>>) dst(%arg13 : memref<400x8xf32, #tpu.memory_space<vmem>>)
      tpu.yield
    }) : () -> ()
    %barrier3A = arith.constant 0 : index
    tpu.barrier barrier_id(%barrier3A)
    %mul3A_1 = arith.constant 20000 : i32
    %mul3A_2 = arith.muli %arg1, %mul3A_1 : i32
    %mul3A_3 = arith.constant 0 : i32
    %mul3A_4 = arith.constant 400 : i32
    %mul3A_5 = arith.muli %mul3A_3, %mul3A_4 : i32
    %add3A = arith.addi %mul3A_2, %mul3A_5 : i32
    %run_scoped3A = arith.constant 0 : i32
    "tpu.region"() ({
      %run_scoped3A_49 = tpu.sem_alloc : memref<!tpu.dma_semaphore, #tpu.memory_space<semaphore_mem>>
      %dma_start3A_50 = arith.constant 0 : i32
      %dma_start3A_51 = tpu.memref_slice %arg10[%run_scoped3A, %dma_start3A_50] : memref<2x400xi32, #tpu.memory_space<vmem>> -> memref<1x400xi32, #tpu.memory_space<vmem>>
      %dma_start3A_52 = tpu.memref_squeeze %dma_start3A_51 : memref<1x400xi32, #tpu.memory_space<vmem>> -> memref<400xi32, #tpu.memory_space<vmem>>
      %dma_start3A_53 = tpu.memref_slice %arg3[%arg0, %add3A] : memref<2x320000xi32, #tpu.memory_space<hbm>> -> memref<1x400xi32, #tpu.memory_space<hbm>>
      %dma_start3A_54 = tpu.memref_squeeze %dma_start3A_53 : memref<1x400xi32, #tpu.memory_space<hbm>> -> memref<400xi32, #tpu.memory_space<hbm>>
      %dma_start3A_55 = arith.constant 0 : i32
      %dma_start3A_56 = tpu.memref_slice %arg10[%run_scoped3A, %dma_start3A_55] : memref<2x400xi32, #tpu.memory_space<vmem>> -> memref<1x400xi32, #tpu.memory_space<vmem>>
      %dma_start3A_57 = tpu.memref_squeeze %dma_start3A_56 : memref<1x400xi32, #tpu.memory_space<vmem>> -> memref<400xi32, #tpu.memory_space<vmem>>
      %dma_start3A_58 = tpu.memref_slice %arg3[%arg0, %add3A] : memref<2x320000xi32, #tpu.memory_space<hbm>> -> memref<1x400xi32, #tpu.memory_space<hbm>>
      %dma_start3A_59 = tpu.memref_squeeze %dma_start3A_58 : memref<1x400xi32, #tpu.memory_space<hbm>> -> memref<400xi32, #tpu.memory_space<hbm>>
      tpu.enqueue_dma source(%dma_start3A_59 : memref<400xi32, #tpu.memory_space<hbm>>) target(%dma_start3A_57 : memref<400xi32, #tpu.memory_space<vmem>>) target_semaphore(%run_scoped3A_49 : memref<!tpu.dma_semaphore, #tpu.memory_space<semaphore_mem>>)
      %dma_wait3A = arith.constant 0 : i32
      %dma_wait3A_60 = tpu.memref_slice %arg10[%run_scoped3A, %dma_wait3A] : memref<2x400xi32, #tpu.memory_space<vmem>> -> memref<1x400xi32, #tpu.memory_space<vmem>>
      %dma_wait3A_61 = tpu.memref_squeeze %dma_wait3A_60 : memref<1x400xi32, #tpu.memory_space<vmem>> -> memref<400xi32, #tpu.memory_space<vmem>>
      %dma_wait3A_62 = tpu.memref_slice %arg3[%arg0, %add3A] : memref<2x320000xi32, #tpu.memory_space<hbm>> -> memref<1x400xi32, #tpu.memory_space<hbm>>
      %dma_wait3A_63 = tpu.memref_squeeze %dma_wait3A_62 : memref<1x400xi32, #tpu.memory_space<hbm>> -> memref<400xi32, #tpu.memory_space<hbm>>
      %dma_wait3A_64 = arith.constant 0 : i32
      %dma_wait3A_65 = tpu.memref_slice %arg10[%run_scoped3A, %dma_wait3A_64] : memref<2x400xi32, #tpu.memory_space<vmem>> -> memref<1x400xi32, #tpu.memory_space<vmem>>
      %dma_wait3A_66 = tpu.memref_squeeze %dma_wait3A_65 : memref<1x400xi32, #tpu.memory_space<vmem>> -> memref<400xi32, #tpu.memory_space<vmem>>
      %dma_wait3A_67 = tpu.memref_slice %arg3[%arg0, %add3A] : memref<2x320000xi32, #tpu.memory_space<hbm>> -> memref<1x400xi32, #tpu.memory_space<hbm>>
      %dma_wait3A_68 = tpu.memref_squeeze %dma_wait3A_67 : memref<1x400xi32, #tpu.memory_space<hbm>> -> memref<400xi32, #tpu.memory_space<hbm>>
      tpu.wait_dma2 semaphore(%run_scoped3A_49 : memref<!tpu.dma_semaphore, #tpu.memory_space<semaphore_mem>>) src(%dma_wait3A_68 : memref<400xi32, #tpu.memory_space<hbm>>) dst(%dma_wait3A_66 : memref<400xi32, #tpu.memory_space<vmem>>)
      tpu.yield
    }) : () -> ()
    %run_scoped3A_6 = arith.constant 0 : i32
    "tpu.region"() ({
      %run_scoped3A_49 = tpu.sem_alloc : memref<!tpu.dma_semaphore, #tpu.memory_space<semaphore_mem>>
      %dma_start3A_50 = arith.constant 0 : i32
      %dma_start3A_51 = tpu.memref_slice %arg11[%run_scoped3A_6, %dma_start3A_50] : memref<2x400xi32, #tpu.memory_space<vmem>> -> memref<1x400xi32, #tpu.memory_space<vmem>>
      %dma_start3A_52 = tpu.memref_squeeze %dma_start3A_51 : memref<1x400xi32, #tpu.memory_space<vmem>> -> memref<400xi32, #tpu.memory_space<vmem>>
      %dma_start3A_53 = tpu.memref_slice %arg4[%add3A] : memref<320000xi32, #tpu.memory_space<hbm>> -> memref<400xi32, #tpu.memory_space<hbm>>
      %dma_start3A_54 = arith.constant 0 : i32
      %dma_start3A_55 = tpu.memref_slice %arg11[%run_scoped3A_6, %dma_start3A_54] : memref<2x400xi32, #tpu.memory_space<vmem>> -> memref<1x400xi32, #tpu.memory_space<vmem>>
      %dma_start3A_56 = tpu.memref_squeeze %dma_start3A_55 : memref<1x400xi32, #tpu.memory_space<vmem>> -> memref<400xi32, #tpu.memory_space<vmem>>
      %dma_start3A_57 = tpu.memref_slice %arg4[%add3A] : memref<320000xi32, #tpu.memory_space<hbm>> -> memref<400xi32, #tpu.memory_space<hbm>>
      tpu.enqueue_dma source(%dma_start3A_57 : memref<400xi32, #tpu.memory_space<hbm>>) target(%dma_start3A_56 : memref<400xi32, #tpu.memory_space<vmem>>) target_semaphore(%run_scoped3A_49 : memref<!tpu.dma_semaphore, #tpu.memory_space<semaphore_mem>>)
      %dma_wait3A = arith.constant 0 : i32
      %dma_wait3A_58 = tpu.memref_slice %arg11[%run_scoped3A_6, %dma_wait3A] : memref<2x400xi32, #tpu.memory_space<vmem>> -> memref<1x400xi32, #tpu.memory_space<vmem>>
      %dma_wait3A_59 = tpu.memref_squeeze %dma_wait3A_58 : memref<1x400xi32, #tpu.memory_space<vmem>> -> memref<400xi32, #tpu.memory_space<vmem>>
      %dma_wait3A_60 = tpu.memref_slice %arg4[%add3A] : memref<320000xi32, #tpu.memory_space<hbm>> -> memref<400xi32, #tpu.memory_space<hbm>>
      %dma_wait3A_61 = arith.constant 0 : i32
      %dma_wait3A_62 = tpu.memref_slice %arg11[%run_scoped3A_6, %dma_wait3A_61] : memref<2x400xi32, #tpu.memory_space<vmem>> -> memref<1x400xi32, #tpu.memory_space<vmem>>
      %dma_wait3A_63 = tpu.memref_squeeze %dma_wait3A_62 : memref<1x400xi32, #tpu.memory_space<vmem>> -> memref<400xi32, #tpu.memory_space<vmem>>
      %dma_wait3A_64 = tpu.memref_slice %arg4[%add3A] : memref<320000xi32, #tpu.memory_space<hbm>> -> memref<400xi32, #tpu.memory_space<hbm>>
      tpu.wait_dma2 semaphore(%run_scoped3A_49 : memref<!tpu.dma_semaphore, #tpu.memory_space<semaphore_mem>>) src(%dma_wait3A_64 : memref<400xi32, #tpu.memory_space<hbm>>) dst(%dma_wait3A_63 : memref<400xi32, #tpu.memory_space<vmem>>)
      tpu.yield
    }) : () -> ()
    %dma_start3A = arith.constant 0 : i32
    %dma_start3A_7 = arith.constant 0 : i32
    %dma_start3A_8 = arith.constant 0 : i32
    %dma_start3A_9 = arith.constant 0 : i32
    %dma_start3A_10 = tpu.memref_slice %arg12[%dma_start3A_7, %dma_start3A_8, %dma_start3A_9] : memref<2x400x64xf32, #tpu.memory_space<vmem>> -> memref<1x400x64xf32, #tpu.memory_space<vmem>>
    %dma_start3A_11 = tpu.memref_squeeze %dma_start3A_10 : memref<1x400x64xf32, #tpu.memory_space<vmem>> -> memref<400x64xf32, #tpu.memory_space<vmem>>
    %dma_start3A_12 = arith.constant 0 : i32
    %dma_start3A_13 = tpu.memref_slice %arg10[%dma_start3A, %dma_start3A_12] : memref<2x400xi32, #tpu.memory_space<vmem>> -> memref<1x400xi32, #tpu.memory_space<vmem>>
    %dma_start3A_14 = tpu.memref_squeeze %dma_start3A_13 : memref<1x400xi32, #tpu.memory_space<vmem>> -> memref<400xi32, #tpu.memory_space<vmem>>
    %dma_start3A_15 = arith.constant 0 : i32
    %dma_start3A_16 = arith.constant 0 : i32
    %dma_start3A_17 = tpu.memref_slice %arg2[%dma_start3A_15, %dma_start3A_16] : memref<20000x64xf32, #tpu.memory_space<hbm>> -> memref<20000x64xf32, #tpu.memory_space<hbm>>
    tpu.enqueue_indirect_dma source(%dma_start3A_17 : memref<20000x64xf32, #tpu.memory_space<hbm>>) target(%dma_start3A_11 : memref<400x64xf32, #tpu.memory_space<vmem>>) offsets(%dma_start3A_14 : memref<400xi32, #tpu.memory_space<vmem>>) semaphore(%arg16 : memref<!tpu.dma_semaphore, #tpu.memory_space<semaphore_mem>>)
    %mul3A_18 = arith.constant 1 : i32
    %mul3A_19 = arith.constant 400 : i32
    %mul3A_20 = arith.muli %mul3A_18, %mul3A_19 : i32
    %add3A_21 = arith.addi %mul3A_2, %mul3A_20 : i32
    %run_scoped3A_22 = arith.constant 1 : i32
    "tpu.region"() ({
      %run_scoped3A_49 = tpu.sem_alloc : memref<!tpu.dma_semaphore, #tpu.memory_space<semaphore_mem>>
      %dma_start3A_50 = arith.constant 0 : i32
      %dma_start3A_51 = tpu.memref_slice %arg10[%run_scoped3A_22, %dma_start3A_50] : memref<2x400xi32, #tpu.memory_space<vmem>> -> memref<1x400xi32, #tpu.memory_space<vmem>>
      %dma_start3A_52 = tpu.memref_squeeze %dma_start3A_51 : memref<1x400xi32, #tpu.memory_space<vmem>> -> memref<400xi32, #tpu.memory_space<vmem>>
      %dma_start3A_53 = tpu.memref_slice %arg3[%arg0, %add3A_21] : memref<2x320000xi32, #tpu.memory_space<hbm>> -> memref<1x400xi32, #tpu.memory_space<hbm>>
      %dma_start3A_54 = tpu.memref_squeeze %dma_start3A_53 : memref<1x400xi32, #tpu.memory_space<hbm>> -> memref<400xi32, #tpu.memory_space<hbm>>
      %dma_start3A_55 = arith.constant 0 : i32
      %dma_start3A_56 = tpu.memref_slice %arg10[%run_scoped3A_22, %dma_start3A_55] : memref<2x400xi32, #tpu.memory_space<vmem>> -> memref<1x400xi32, #tpu.memory_space<vmem>>
      %dma_start3A_57 = tpu.memref_squeeze %dma_start3A_56 : memref<1x400xi32, #tpu.memory_space<vmem>> -> memref<400xi32, #tpu.memory_space<vmem>>
      %dma_start3A_58 = tpu.memref_slice %arg3[%arg0, %add3A_21] : memref<2x320000xi32, #tpu.memory_space<hbm>> -> memref<1x400xi32, #tpu.memory_space<hbm>>
      %dma_start3A_59 = tpu.memref_squeeze %dma_start3A_58 : memref<1x400xi32, #tpu.memory_space<hbm>> -> memref<400xi32, #tpu.memory_space<hbm>>
      tpu.enqueue_dma source(%dma_start3A_59 : memref<400xi32, #tpu.memory_space<hbm>>) target(%dma_start3A_57 : memref<400xi32, #tpu.memory_space<vmem>>) target_semaphore(%run_scoped3A_49 : memref<!tpu.dma_semaphore, #tpu.memory_space<semaphore_mem>>)
      %dma_wait3A = arith.constant 0 : i32
      %dma_wait3A_60 = tpu.memref_slice %arg10[%run_scoped3A_22, %dma_wait3A] : memref<2x400xi32, #tpu.memory_space<vmem>> -> memref<1x400xi32, #tpu.memory_space<vmem>>
      %dma_wait3A_61 = tpu.memref_squeeze %dma_wait3A_60 : memref<1x400xi32, #tpu.memory_space<vmem>> -> memref<400xi32, #tpu.memory_space<vmem>>
      %dma_wait3A_62 = tpu.memref_slice %arg3[%arg0, %add3A_21] : memref<2x320000xi32, #tpu.memory_space<hbm>> -> memref<1x400xi32, #tpu.memory_space<hbm>>
      %dma_wait3A_63 = tpu.memref_squeeze %dma_wait3A_62 : memref<1x400xi32, #tpu.memory_space<hbm>> -> memref<400xi32, #tpu.memory_space<hbm>>
      %dma_wait3A_64 = arith.constant 0 : i32
      %dma_wait3A_65 = tpu.memref_slice %arg10[%run_scoped3A_22, %dma_wait3A_64] : memref<2x400xi32, #tpu.memory_space<vmem>> -> memref<1x400xi32, #tpu.memory_space<vmem>>
      %dma_wait3A_66 = tpu.memref_squeeze %dma_wait3A_65 : memref<1x400xi32, #tpu.memory_space<vmem>> -> memref<400xi32, #tpu.memory_space<vmem>>
      %dma_wait3A_67 = tpu.memref_slice %arg3[%arg0, %add3A_21] : memref<2x320000xi32, #tpu.memory_space<hbm>> -> memref<1x400xi32, #tpu.memory_space<hbm>>
      %dma_wait3A_68 = tpu.memref_squeeze %dma_wait3A_67 : memref<1x400xi32, #tpu.memory_space<hbm>> -> memref<400xi32, #tpu.memory_space<hbm>>
      tpu.wait_dma2 semaphore(%run_scoped3A_49 : memref<!tpu.dma_semaphore, #tpu.memory_space<semaphore_mem>>) src(%dma_wait3A_68 : memref<400xi32, #tpu.memory_space<hbm>>) dst(%dma_wait3A_66 : memref<400xi32, #tpu.memory_space<vmem>>)
      tpu.yield
    }) : () -> ()
    %run_scoped3A_23 = arith.constant 1 : i32
    "tpu.region"() ({
      %run_scoped3A_49 = tpu.sem_alloc : memref<!tpu.dma_semaphore, #tpu.memory_space<semaphore_mem>>
      %dma_start3A_50 = arith.constant 0 : i32
      %dma_start3A_51 = tpu.memref_slice %arg11[%run_scoped3A_23, %dma_start3A_50] : memref<2x400xi32, #tpu.memory_space<vmem>> -> memref<1x400xi32, #tpu.memory_space<vmem>>
      %dma_start3A_52 = tpu.memref_squeeze %dma_start3A_51 : memref<1x400xi32, #tpu.memory_space<vmem>> -> memref<400xi32, #tpu.memory_space<vmem>>
      %dma_start3A_53 = tpu.memref_slice %arg4[%add3A_21] : memref<320000xi32, #tpu.memory_space<hbm>> -> memref<400xi32, #tpu.memory_space<hbm>>
      %dma_start3A_54 = arith.constant 0 : i32
      %dma_start3A_55 = tpu.memref_slice %arg11[%run_scoped3A_23, %dma_start3A_54] : memref<2x400xi32, #tpu.memory_space<vmem>> -> memref<1x400xi32, #tpu.memory_space<vmem>>
      %dma_start3A_56 = tpu.memref_squeeze %dma_start3A_55 : memref<1x400xi32, #tpu.memory_space<vmem>> -> memref<400xi32, #tpu.memory_space<vmem>>
      %dma_start3A_57 = tpu.memref_slice %arg4[%add3A_21] : memref<320000xi32, #tpu.memory_space<hbm>> -> memref<400xi32, #tpu.memory_space<hbm>>
      tpu.enqueue_dma source(%dma_start3A_57 : memref<400xi32, #tpu.memory_space<hbm>>) target(%dma_start3A_56 : memref<400xi32, #tpu.memory_space<vmem>>) target_semaphore(%run_scoped3A_49 : memref<!tpu.dma_semaphore, #tpu.memory_space<semaphore_mem>>)
      %dma_wait3A = arith.constant 0 : i32
      %dma_wait3A_58 = tpu.memref_slice %arg11[%run_scoped3A_23, %dma_wait3A] : memref<2x400xi32, #tpu.memory_space<vmem>> -> memref<1x400xi32, #tpu.memory_space<vmem>>
      %dma_wait3A_59 = tpu.memref_squeeze %dma_wait3A_58 : memref<1x400xi32, #tpu.memory_space<vmem>> -> memref<400xi32, #tpu.memory_space<vmem>>
      %dma_wait3A_60 = tpu.memref_slice %arg4[%add3A_21] : memref<320000xi32, #tpu.memory_space<hbm>> -> memref<400xi32, #tpu.memory_space<hbm>>
      %dma_wait3A_61 = arith.constant 0 : i32
      %dma_wait3A_62 = tpu.memref_slice %arg11[%run_scoped3A_23, %dma_wait3A_61] : memref<2x400xi32, #tpu.memory_space<vmem>> -> memref<1x400xi32, #tpu.memory_space<vmem>>
      %dma_wait3A_63 = tpu.memref_squeeze %dma_wait3A_62 : memref<1x400xi32, #tpu.memory_space<vmem>> -> memref<400xi32, #tpu.memory_space<vmem>>
      %dma_wait3A_64 = tpu.memref_slice %arg4[%add3A_21] : memref<320000xi32, #tpu.memory_space<hbm>> -> memref<400xi32, #tpu.memory_space<hbm>>
      tpu.wait_dma2 semaphore(%run_scoped3A_49 : memref<!tpu.dma_semaphore, #tpu.memory_space<semaphore_mem>>) src(%dma_wait3A_64 : memref<400xi32, #tpu.memory_space<hbm>>) dst(%dma_wait3A_63 : memref<400xi32, #tpu.memory_space<vmem>>)
      tpu.yield
    }) : () -> ()
    %dma_start3A_24 = arith.constant 1 : i32
    %dma_start3A_25 = arith.constant 1 : i32
    %dma_start3A_26 = arith.constant 0 : i32
    %dma_start3A_27 = arith.constant 0 : i32
    %dma_start3A_28 = tpu.memref_slice %arg12[%dma_start3A_25, %dma_start3A_26, %dma_start3A_27] : memref<2x400x64xf32, #tpu.memory_space<vmem>> -> memref<1x400x64xf32, #tpu.memory_space<vmem>>
    %dma_start3A_29 = tpu.memref_squeeze %dma_start3A_28 : memref<1x400x64xf32, #tpu.memory_space<vmem>> -> memref<400x64xf32, #tpu.memory_space<vmem>>
    %dma_start3A_30 = arith.constant 0 : i32
    %dma_start3A_31 = tpu.memref_slice %arg10[%dma_start3A_24, %dma_start3A_30] : memref<2x400xi32, #tpu.memory_space<vmem>> -> memref<1x400xi32, #tpu.memory_space<vmem>>
    %dma_start3A_32 = tpu.memref_squeeze %dma_start3A_31 : memref<1x400xi32, #tpu.memory_space<vmem>> -> memref<400xi32, #tpu.memory_space<vmem>>
    %dma_start3A_33 = arith.constant 0 : i32
    %dma_start3A_34 = arith.constant 0 : i32
    %dma_start3A_35 = tpu.memref_slice %arg2[%dma_start3A_33, %dma_start3A_34] : memref<20000x64xf32, #tpu.memory_space<hbm>> -> memref<20000x64xf32, #tpu.memory_space<hbm>>
    tpu.enqueue_indirect_dma source(%dma_start3A_35 : memref<20000x64xf32, #tpu.memory_space<hbm>>) target(%dma_start3A_29 : memref<400x64xf32, #tpu.memory_space<vmem>>) offsets(%dma_start3A_32 : memref<400xi32, #tpu.memory_space<vmem>>) semaphore(%arg17 : memref<!tpu.dma_semaphore, #tpu.memory_space<semaphore_mem>>)
    %scan3A = arith.constant 0 : i32
    %scan3A_36 = arith.constant 0 : i32
    %scan3A_37 = arith.constant 0 : i32
    %scan3A_38 = arith.constant 1 : i32
    %scan3A_39 = arith.constant 1 : i32
    %scan3A_40 = arith.constant 1 : i32
    %scan3A_41 = arith.constant 0 : i32
    %scan3A_42 = arith.constant 25 : i32
    %scan3A_43 = arith.addi %scan3A_41, %scan3A_42 : i32
    %scan3A_44 = arith.constant 1 : i32
    scf.for %scan3A_49 = %scan3A_41 to %scan3A_43 step %scan3A_44  : i32 {
      %mul3A_50 = arith.constant 1 : i32
      %mul3A_51 = arith.muli %scan3A_49, %mul3A_50 : i32
      %add3A_52 = arith.constant 0 : i32
      %add3A_53 = arith.addi %add3A_52, %mul3A_51 : i32
      %mul3A_54 = arith.constant 2 : i32
      %mul3A_55 = arith.muli %add3A_53, %mul3A_54 : i32
      %dma_wait3A = arith.constant 0 : i32
      %dma_wait3A_56 = arith.constant 0 : i32
      %dma_wait3A_57 = tpu.memref_slice %arg12[%scan3A_36, %dma_wait3A, %dma_wait3A_56] : memref<2x400x64xf32, #tpu.memory_space<vmem>> -> memref<1x400x64xf32, #tpu.memory_space<vmem>>
      %dma_wait3A_58 = tpu.memref_squeeze %dma_wait3A_57 : memref<1x400x64xf32, #tpu.memory_space<vmem>> -> memref<400x64xf32, #tpu.memory_space<vmem>>
      %dma_wait3A_59 = arith.constant 0 : i32
      %dma_wait3A_60 = tpu.memref_slice %arg10[%scan3A, %dma_wait3A_59] : memref<2x400xi32, #tpu.memory_space<vmem>> -> memref<1x400xi32, #tpu.memory_space<vmem>>
      %dma_wait3A_61 = tpu.memref_squeeze %dma_wait3A_60 : memref<1x400xi32, #tpu.memory_space<vmem>> -> memref<400xi32, #tpu.memory_space<vmem>>
      %dma_wait3A_62 = arith.constant 0 : i32
      %dma_wait3A_63 = arith.constant 0 : i32
      %dma_wait3A_64 = tpu.memref_slice %arg2[%dma_wait3A_62, %dma_wait3A_63] : memref<20000x64xf32, #tpu.memory_space<hbm>> -> memref<20000x64xf32, #tpu.memory_space<hbm>>
      tpu.wait_indirect_dma semaphore(%arg16 : memref<!tpu.dma_semaphore, #tpu.memory_space<semaphore_mem>>) src(%dma_wait3A_64 : memref<20000x64xf32, #tpu.memory_space<hbm>>) dst(%dma_wait3A_58 : memref<400x64xf32, #tpu.memory_space<vmem>>)
      "tpu.region"() ({
        %run_scoped3A_107 = tpu.sem_alloc : memref<!tpu.dma_semaphore, #tpu.memory_space<semaphore_mem>>
        %dma_start3A_108 = arith.constant 0 : i32
        %dma_start3A_109 = arith.constant 0 : i32
        %dma_start3A_110 = tpu.memref_slice %arg12[%scan3A_36, %dma_start3A_108, %dma_start3A_109] : memref<2x400x64xf32, #tpu.memory_space<vmem>> -> memref<1x400x64xf32, #tpu.memory_space<vmem>>
        %dma_start3A_111 = tpu.memref_squeeze %dma_start3A_110 : memref<1x400x64xf32, #tpu.memory_space<vmem>> -> memref<400x64xf32, #tpu.memory_space<vmem>>
        %dma_start3A_112 = arith.constant 0 : i32
        %dma_start3A_113 = tpu.memref_slice %arg11[%scan3A_37, %dma_start3A_112] : memref<2x400xi32, #tpu.memory_space<vmem>> -> memref<1x400xi32, #tpu.memory_space<vmem>>
        %dma_start3A_114 = tpu.memref_squeeze %dma_start3A_113 : memref<1x400xi32, #tpu.memory_space<vmem>> -> memref<400xi32, #tpu.memory_space<vmem>>
        %dma_start3A_115 = arith.constant 0 : i32
        %dma_start3A_116 = arith.constant 0 : i32
        %dma_start3A_117 = tpu.memref_slice %arg14[%dma_start3A_115, %dma_start3A_116] : memref<10000x64xf32, #tpu.memory_space<vmem_shared>> -> memref<10000x64xf32, #tpu.memory_space<vmem_shared>>
        tpu.enqueue_indirect_dma source(%dma_start3A_111 : memref<400x64xf32, #tpu.memory_space<vmem>>) target(%dma_start3A_117 : memref<10000x64xf32, #tpu.memory_space<vmem_shared>>) offsets(%dma_start3A_114 : memref<400xi32, #tpu.memory_space<vmem>>) semaphore(%run_scoped3A_107 : memref<!tpu.dma_semaphore, #tpu.memory_space<semaphore_mem>>) {add = true}
        %dma_wait3A_118 = arith.constant 0 : i32
        %dma_wait3A_119 = arith.constant 0 : i32
        %dma_wait3A_120 = tpu.memref_slice %arg12[%scan3A_36, %dma_wait3A_118, %dma_wait3A_119] : memref<2x400x64xf32, #tpu.memory_space<vmem>> -> memref<1x400x64xf32, #tpu.memory_space<vmem>>
        %dma_wait3A_121 = tpu.memref_squeeze %dma_wait3A_120 : memref<1x400x64xf32, #tpu.memory_space<vmem>> -> memref<400x64xf32, #tpu.memory_space<vmem>>
        %dma_wait3A_122 = arith.constant 0 : i32
        %dma_wait3A_123 = tpu.memref_slice %arg11[%scan3A_37, %dma_wait3A_122] : memref<2x400xi32, #tpu.memory_space<vmem>> -> memref<1x400xi32, #tpu.memory_space<vmem>>
        %dma_wait3A_124 = tpu.memref_squeeze %dma_wait3A_123 : memref<1x400xi32, #tpu.memory_space<vmem>> -> memref<400xi32, #tpu.memory_space<vmem>>
        %dma_wait3A_125 = arith.constant 0 : i32
        %dma_wait3A_126 = arith.constant 0 : i32
        %dma_wait3A_127 = tpu.memref_slice %arg14[%dma_wait3A_125, %dma_wait3A_126] : memref<10000x64xf32, #tpu.memory_space<vmem_shared>> -> memref<10000x64xf32, #tpu.memory_space<vmem_shared>>
        tpu.wait_indirect_dma semaphore(%run_scoped3A_107 : memref<!tpu.dma_semaphore, #tpu.memory_space<semaphore_mem>>) src(%dma_wait3A_121 : memref<400x64xf32, #tpu.memory_space<vmem>>) dst(%dma_wait3A_127 : memref<10000x64xf32, #tpu.memory_space<vmem_shared>>)
        tpu.yield
      }) : () -> ()
      %lt3A = arith.constant 25 : i32
      %lt3A_65 = arith.cmpi slt, %mul3A_55, %lt3A : i32
      %eq3A = arith.constant 0 : i32
      %eq3A_66 = arith.cmpi eq, %arg0, %eq3A : i32
      %eq3A_67 = arith.xori %lt3A_65, %eq3A_66 : i1
      %eq3A_68 = arith.constant true
      %eq3A_69 = arith.xori %eq3A_67, %eq3A_68 : i1
      %convert_element_type3A = arith.extui %eq3A_69 : i1 to i32
      %cond3A = arith.constant 0 : i32
      %cond3A_70 = arith.cmpi ne, %convert_element_type3A, %cond3A : i32
      scf.if %cond3A_70 {
        "tpu.region"() ({
          %run_scoped3A_107 = tpu.sem_alloc : memref<!tpu.dma_semaphore, #tpu.memory_space<semaphore_mem>>
          %dma_start3A_108 = arith.constant 0 : i32
          %dma_start3A_109 = tpu.memref_slice %arg11[%scan3A_37, %dma_start3A_108] : memref<2x400xi32, #tpu.memory_space<vmem>> -> memref<1x400xi32, #tpu.memory_space<vmem>>
          %dma_start3A_110 = tpu.memref_squeeze %dma_start3A_109 : memref<1x400xi32, #tpu.memory_space<vmem>> -> memref<400xi32, #tpu.memory_space<vmem>>
          %dma_start3A_111 = arith.constant 0 : i32
          %dma_start3A_112 = arith.constant 0 : i32
          %dma_start3A_113 = tpu.memref_slice %arg15[%dma_start3A_111, %dma_start3A_112] : memref<10000x8xf32, #tpu.memory_space<vmem_shared>> -> memref<10000x8xf32, #tpu.memory_space<vmem_shared>>
          tpu.enqueue_indirect_dma source(%arg13 : memref<400x8xf32, #tpu.memory_space<vmem>>) target(%dma_start3A_113 : memref<10000x8xf32, #tpu.memory_space<vmem_shared>>) offsets(%dma_start3A_110 : memref<400xi32, #tpu.memory_space<vmem>>) semaphore(%run_scoped3A_107 : memref<!tpu.dma_semaphore, #tpu.memory_space<semaphore_mem>>) {add = true}
          %dma_wait3A_114 = arith.constant 0 : i32
          %dma_wait3A_115 = tpu.memref_slice %arg11[%scan3A_37, %dma_wait3A_114] : memref<2x400xi32, #tpu.memory_space<vmem>> -> memref<1x400xi32, #tpu.memory_space<vmem>>
          %dma_wait3A_116 = tpu.memref_squeeze %dma_wait3A_115 : memref<1x400xi32, #tpu.memory_space<vmem>> -> memref<400xi32, #tpu.memory_space<vmem>>
          %dma_wait3A_117 = arith.constant 0 : i32
          %dma_wait3A_118 = arith.constant 0 : i32
          %dma_wait3A_119 = tpu.memref_slice %arg15[%dma_wait3A_117, %dma_wait3A_118] : memref<10000x8xf32, #tpu.memory_space<vmem_shared>> -> memref<10000x8xf32, #tpu.memory_space<vmem_shared>>
          tpu.wait_indirect_dma semaphore(%run_scoped3A_107 : memref<!tpu.dma_semaphore, #tpu.memory_space<semaphore_mem>>) src(%arg13 : memref<400x8xf32, #tpu.memory_space<vmem>>) dst(%dma_wait3A_119 : memref<10000x8xf32, #tpu.memory_space<vmem_shared>>)
          tpu.yield
        }) : () -> ()
      } else {
      }
      %add3A_71 = arith.constant 2 : i32
      %add3A_72 = arith.addi %mul3A_55, %add3A_71 : i32
      %lt3A_73 = arith.constant 50 : i32
      %lt3A_74 = arith.cmpi slt, %add3A_72, %lt3A_73 : i32
      %convert_element_type3A_75 = arith.extui %lt3A_74 : i1 to i32
      %cond3A_76 = arith.constant 0 : i32
      %cond3A_77 = arith.cmpi ne, %convert_element_type3A_75, %cond3A_76 : i32
      scf.if %cond3A_77 {
        %add3A_107 = arith.constant 2 : i32
        %add3A_108 = arith.addi %mul3A_55, %add3A_107 : i32
        %mul3A_109 = arith.constant 400 : i32
        %mul3A_110 = arith.muli %add3A_108, %mul3A_109 : i32
        %add3A_111 = arith.addi %mul3A_2, %mul3A_110 : i32
        "tpu.region"() ({
          %run_scoped3A_122 = tpu.sem_alloc : memref<!tpu.dma_semaphore, #tpu.memory_space<semaphore_mem>>
          %dma_start3A_123 = arith.constant 0 : i32
          %dma_start3A_124 = tpu.memref_slice %arg10[%scan3A, %dma_start3A_123] : memref<2x400xi32, #tpu.memory_space<vmem>> -> memref<1x400xi32, #tpu.memory_space<vmem>>
          %dma_start3A_125 = tpu.memref_squeeze %dma_start3A_124 : memref<1x400xi32, #tpu.memory_space<vmem>> -> memref<400xi32, #tpu.memory_space<vmem>>
          %dma_start3A_126 = tpu.memref_slice %arg3[%arg0, %add3A_111] : memref<2x320000xi32, #tpu.memory_space<hbm>> -> memref<1x400xi32, #tpu.memory_space<hbm>>
          %dma_start3A_127 = tpu.memref_squeeze %dma_start3A_126 : memref<1x400xi32, #tpu.memory_space<hbm>> -> memref<400xi32, #tpu.memory_space<hbm>>
          %dma_start3A_128 = arith.constant 0 : i32
          %dma_start3A_129 = tpu.memref_slice %arg10[%scan3A, %dma_start3A_128] : memref<2x400xi32, #tpu.memory_space<vmem>> -> memref<1x400xi32, #tpu.memory_space<vmem>>
          %dma_start3A_130 = tpu.memref_squeeze %dma_start3A_129 : memref<1x400xi32, #tpu.memory_space<vmem>> -> memref<400xi32, #tpu.memory_space<vmem>>
          %dma_start3A_131 = tpu.memref_slice %arg3[%arg0, %add3A_111] : memref<2x320000xi32, #tpu.memory_space<hbm>> -> memref<1x400xi32, #tpu.memory_space<hbm>>
          %dma_start3A_132 = tpu.memref_squeeze %dma_start3A_131 : memref<1x400xi32, #tpu.memory_space<hbm>> -> memref<400xi32, #tpu.memory_space<hbm>>
          tpu.enqueue_dma source(%dma_start3A_132 : memref<400xi32, #tpu.memory_space<hbm>>) target(%dma_start3A_130 : memref<400xi32, #tpu.memory_space<vmem>>) target_semaphore(%run_scoped3A_122 : memref<!tpu.dma_semaphore, #tpu.memory_space<semaphore_mem>>)
          %dma_wait3A_133 = arith.constant 0 : i32
          %dma_wait3A_134 = tpu.memref_slice %arg10[%scan3A, %dma_wait3A_133] : memref<2x400xi32, #tpu.memory_space<vmem>> -> memref<1x400xi32, #tpu.memory_space<vmem>>
          %dma_wait3A_135 = tpu.memref_squeeze %dma_wait3A_134 : memref<1x400xi32, #tpu.memory_space<vmem>> -> memref<400xi32, #tpu.memory_space<vmem>>
          %dma_wait3A_136 = tpu.memref_slice %arg3[%arg0, %add3A_111] : memref<2x320000xi32, #tpu.memory_space<hbm>> -> memref<1x400xi32, #tpu.memory_space<hbm>>
          %dma_wait3A_137 = tpu.memref_squeeze %dma_wait3A_136 : memref<1x400xi32, #tpu.memory_space<hbm>> -> memref<400xi32, #tpu.memory_space<hbm>>
          %dma_wait3A_138 = arith.constant 0 : i32
          %dma_wait3A_139 = tpu.memref_slice %arg10[%scan3A, %dma_wait3A_138] : memref<2x400xi32, #tpu.memory_space<vmem>> -> memref<1x400xi32, #tpu.memory_space<vmem>>
          %dma_wait3A_140 = tpu.memref_squeeze %dma_wait3A_139 : memref<1x400xi32, #tpu.memory_space<vmem>> -> memref<400xi32, #tpu.memory_space<vmem>>
          %dma_wait3A_141 = tpu.memref_slice %arg3[%arg0, %add3A_111] : memref<2x320000xi32, #tpu.memory_space<hbm>> -> memref<1x400xi32, #tpu.memory_space<hbm>>
          %dma_wait3A_142 = tpu.memref_squeeze %dma_wait3A_141 : memref<1x400xi32, #tpu.memory_space<hbm>> -> memref<400xi32, #tpu.memory_space<hbm>>
          tpu.wait_dma2 semaphore(%run_scoped3A_122 : memref<!tpu.dma_semaphore, #tpu.memory_space<semaphore_mem>>) src(%dma_wait3A_142 : memref<400xi32, #tpu.memory_space<hbm>>) dst(%dma_wait3A_140 : memref<400xi32, #tpu.memory_space<vmem>>)
          tpu.yield
        }) : () -> ()
        "tpu.region"() ({
          %run_scoped3A_122 = tpu.sem_alloc : memref<!tpu.dma_semaphore, #tpu.memory_space<semaphore_mem>>
          %dma_start3A_123 = arith.constant 0 : i32
          %dma_start3A_124 = tpu.memref_slice %arg11[%scan3A_37, %dma_start3A_123] : memref<2x400xi32, #tpu.memory_space<vmem>> -> memref<1x400xi32, #tpu.memory_space<vmem>>
          %dma_start3A_125 = tpu.memref_squeeze %dma_start3A_124 : memref<1x400xi32, #tpu.memory_space<vmem>> -> memref<400xi32, #tpu.memory_space<vmem>>
          %dma_start3A_126 = tpu.memref_slice %arg4[%add3A_111] : memref<320000xi32, #tpu.memory_space<hbm>> -> memref<400xi32, #tpu.memory_space<hbm>>
          %dma_start3A_127 = arith.constant 0 : i32
          %dma_start3A_128 = tpu.memref_slice %arg11[%scan3A_37, %dma_start3A_127] : memref<2x400xi32, #tpu.memory_space<vmem>> -> memref<1x400xi32, #tpu.memory_space<vmem>>
          %dma_start3A_129 = tpu.memref_squeeze %dma_start3A_128 : memref<1x400xi32, #tpu.memory_space<vmem>> -> memref<400xi32, #tpu.memory_space<vmem>>
          %dma_start3A_130 = tpu.memref_slice %arg4[%add3A_111] : memref<320000xi32, #tpu.memory_space<hbm>> -> memref<400xi32, #tpu.memory_space<hbm>>
          tpu.enqueue_dma source(%dma_start3A_130 : memref<400xi32, #tpu.memory_space<hbm>>) target(%dma_start3A_129 : memref<400xi32, #tpu.memory_space<vmem>>) target_semaphore(%run_scoped3A_122 : memref<!tpu.dma_semaphore, #tpu.memory_space<semaphore_mem>>)
          %dma_wait3A_131 = arith.constant 0 : i32
          %dma_wait3A_132 = tpu.memref_slice %arg11[%scan3A_37, %dma_wait3A_131] : memref<2x400xi32, #tpu.memory_space<vmem>> -> memref<1x400xi32, #tpu.memory_space<vmem>>
          %dma_wait3A_133 = tpu.memref_squeeze %dma_wait3A_132 : memref<1x400xi32, #tpu.memory_space<vmem>> -> memref<400xi32, #tpu.memory_space<vmem>>
          %dma_wait3A_134 = tpu.memref_slice %arg4[%add3A_111] : memref<320000xi32, #tpu.memory_space<hbm>> -> memref<400xi32, #tpu.memory_space<hbm>>
          %dma_wait3A_135 = arith.constant 0 : i32
          %dma_wait3A_136 = tpu.memref_slice %arg11[%scan3A_37, %dma_wait3A_135] : memref<2x400xi32, #tpu.memory_space<vmem>> -> memref<1x400xi32, #tpu.memory_space<vmem>>
          %dma_wait3A_137 = tpu.memref_squeeze %dma_wait3A_136 : memref<1x400xi32, #tpu.memory_space<vmem>> -> memref<400xi32, #tpu.memory_space<vmem>>
          %dma_wait3A_138 = tpu.memref_slice %arg4[%add3A_111] : memref<320000xi32, #tpu.memory_space<hbm>> -> memref<400xi32, #tpu.memory_space<hbm>>
          tpu.wait_dma2 semaphore(%run_scoped3A_122 : memref<!tpu.dma_semaphore, #tpu.memory_space<semaphore_mem>>) src(%dma_wait3A_138 : memref<400xi32, #tpu.memory_space<hbm>>) dst(%dma_wait3A_137 : memref<400xi32, #tpu.memory_space<vmem>>)
          tpu.yield
        }) : () -> ()
        %dma_start3A_112 = arith.constant 0 : i32
        %dma_start3A_113 = arith.constant 0 : i32
        %dma_start3A_114 = tpu.memref_slice %arg12[%scan3A_36, %dma_start3A_112, %dma_start3A_113] : memref<2x400x64xf32, #tpu.memory_space<vmem>> -> memref<1x400x64xf32, #tpu.memory_space<vmem>>
        %dma_start3A_115 = tpu.memref_squeeze %dma_start3A_114 : memref<1x400x64xf32, #tpu.memory_space<vmem>> -> memref<400x64xf32, #tpu.memory_space<vmem>>
        %dma_start3A_116 = arith.constant 0 : i32
        %dma_start3A_117 = tpu.memref_slice %arg10[%scan3A, %dma_start3A_116] : memref<2x400xi32, #tpu.memory_space<vmem>> -> memref<1x400xi32, #tpu.memory_space<vmem>>
        %dma_start3A_118 = tpu.memref_squeeze %dma_start3A_117 : memref<1x400xi32, #tpu.memory_space<vmem>> -> memref<400xi32, #tpu.memory_space<vmem>>
        %dma_start3A_119 = arith.constant 0 : i32
        %dma_start3A_120 = arith.constant 0 : i32
        %dma_start3A_121 = tpu.memref_slice %arg2[%dma_start3A_119, %dma_start3A_120] : memref<20000x64xf32, #tpu.memory_space<hbm>> -> memref<20000x64xf32, #tpu.memory_space<hbm>>
        tpu.enqueue_indirect_dma source(%dma_start3A_121 : memref<20000x64xf32, #tpu.memory_space<hbm>>) target(%dma_start3A_115 : memref<400x64xf32, #tpu.memory_space<vmem>>) offsets(%dma_start3A_118 : memref<400xi32, #tpu.memory_space<vmem>>) semaphore(%arg16 : memref<!tpu.dma_semaphore, #tpu.memory_space<semaphore_mem>>)
      } else {
      }
      %add3A_78 = arith.constant 1 : i32
      %add3A_79 = arith.addi %mul3A_55, %add3A_78 : i32
      %dma_wait3A_80 = arith.constant 0 : i32
      %dma_wait3A_81 = arith.constant 0 : i32
      %dma_wait3A_82 = tpu.memref_slice %arg12[%scan3A_39, %dma_wait3A_80, %dma_wait3A_81] : memref<2x400x64xf32, #tpu.memory_space<vmem>> -> memref<1x400x64xf32, #tpu.memory_space<vmem>>
      %dma_wait3A_83 = tpu.memref_squeeze %dma_wait3A_82 : memref<1x400x64xf32, #tpu.memory_space<vmem>> -> memref<400x64xf32, #tpu.memory_space<vmem>>
      %dma_wait3A_84 = arith.constant 0 : i32
      %dma_wait3A_85 = tpu.memref_slice %arg10[%scan3A_38, %dma_wait3A_84] : memref<2x400xi32, #tpu.memory_space<vmem>> -> memref<1x400xi32, #tpu.memory_space<vmem>>
      %dma_wait3A_86 = tpu.memref_squeeze %dma_wait3A_85 : memref<1x400xi32, #tpu.memory_space<vmem>> -> memref<400xi32, #tpu.memory_space<vmem>>
      %dma_wait3A_87 = arith.constant 0 : i32
      %dma_wait3A_88 = arith.constant 0 : i32
      %dma_wait3A_89 = tpu.memref_slice %arg2[%dma_wait3A_87, %dma_wait3A_88] : memref<20000x64xf32, #tpu.memory_space<hbm>> -> memref<20000x64xf32, #tpu.memory_space<hbm>>
      tpu.wait_indirect_dma semaphore(%arg17 : memref<!tpu.dma_semaphore, #tpu.memory_space<semaphore_mem>>) src(%dma_wait3A_89 : memref<20000x64xf32, #tpu.memory_space<hbm>>) dst(%dma_wait3A_83 : memref<400x64xf32, #tpu.memory_space<vmem>>)
      "tpu.region"() ({
        %run_scoped3A_107 = tpu.sem_alloc : memref<!tpu.dma_semaphore, #tpu.memory_space<semaphore_mem>>
        %dma_start3A_108 = arith.constant 0 : i32
        %dma_start3A_109 = arith.constant 0 : i32
        %dma_start3A_110 = tpu.memref_slice %arg12[%scan3A_39, %dma_start3A_108, %dma_start3A_109] : memref<2x400x64xf32, #tpu.memory_space<vmem>> -> memref<1x400x64xf32, #tpu.memory_space<vmem>>
        %dma_start3A_111 = tpu.memref_squeeze %dma_start3A_110 : memref<1x400x64xf32, #tpu.memory_space<vmem>> -> memref<400x64xf32, #tpu.memory_space<vmem>>
        %dma_start3A_112 = arith.constant 0 : i32
        %dma_start3A_113 = tpu.memref_slice %arg11[%scan3A_40, %dma_start3A_112] : memref<2x400xi32, #tpu.memory_space<vmem>> -> memref<1x400xi32, #tpu.memory_space<vmem>>
        %dma_start3A_114 = tpu.memref_squeeze %dma_start3A_113 : memref<1x400xi32, #tpu.memory_space<vmem>> -> memref<400xi32, #tpu.memory_space<vmem>>
        %dma_start3A_115 = arith.constant 0 : i32
        %dma_start3A_116 = arith.constant 0 : i32
        %dma_start3A_117 = tpu.memref_slice %arg14[%dma_start3A_115, %dma_start3A_116] : memref<10000x64xf32, #tpu.memory_space<vmem_shared>> -> memref<10000x64xf32, #tpu.memory_space<vmem_shared>>
        tpu.enqueue_indirect_dma source(%dma_start3A_111 : memref<400x64xf32, #tpu.memory_space<vmem>>) target(%dma_start3A_117 : memref<10000x64xf32, #tpu.memory_space<vmem_shared>>) offsets(%dma_start3A_114 : memref<400xi32, #tpu.memory_space<vmem>>) semaphore(%run_scoped3A_107 : memref<!tpu.dma_semaphore, #tpu.memory_space<semaphore_mem>>) {add = true}
        %dma_wait3A_118 = arith.constant 0 : i32
        %dma_wait3A_119 = arith.constant 0 : i32
        %dma_wait3A_120 = tpu.memref_slice %arg12[%scan3A_39, %dma_wait3A_118, %dma_wait3A_119] : memref<2x400x64xf32, #tpu.memory_space<vmem>> -> memref<1x400x64xf32, #tpu.memory_space<vmem>>
        %dma_wait3A_121 = tpu.memref_squeeze %dma_wait3A_120 : memref<1x400x64xf32, #tpu.memory_space<vmem>> -> memref<400x64xf32, #tpu.memory_space<vmem>>
        %dma_wait3A_122 = arith.constant 0 : i32
        %dma_wait3A_123 = tpu.memref_slice %arg11[%scan3A_40, %dma_wait3A_122] : memref<2x400xi32, #tpu.memory_space<vmem>> -> memref<1x400xi32, #tpu.memory_space<vmem>>
        %dma_wait3A_124 = tpu.memref_squeeze %dma_wait3A_123 : memref<1x400xi32, #tpu.memory_space<vmem>> -> memref<400xi32, #tpu.memory_space<vmem>>
        %dma_wait3A_125 = arith.constant 0 : i32
        %dma_wait3A_126 = arith.constant 0 : i32
        %dma_wait3A_127 = tpu.memref_slice %arg14[%dma_wait3A_125, %dma_wait3A_126] : memref<10000x64xf32, #tpu.memory_space<vmem_shared>> -> memref<10000x64xf32, #tpu.memory_space<vmem_shared>>
        tpu.wait_indirect_dma semaphore(%run_scoped3A_107 : memref<!tpu.dma_semaphore, #tpu.memory_space<semaphore_mem>>) src(%dma_wait3A_121 : memref<400x64xf32, #tpu.memory_space<vmem>>) dst(%dma_wait3A_127 : memref<10000x64xf32, #tpu.memory_space<vmem_shared>>)
        tpu.yield
      }) : () -> ()
      %lt3A_90 = arith.constant 25 : i32
      %lt3A_91 = arith.cmpi slt, %add3A_79, %lt3A_90 : i32
      %eq3A_92 = arith.constant 0 : i32
      %eq3A_93 = arith.cmpi eq, %arg0, %eq3A_92 : i32
      %eq3A_94 = arith.xori %lt3A_91, %eq3A_93 : i1
      %eq3A_95 = arith.constant true
      %eq3A_96 = arith.xori %eq3A_94, %eq3A_95 : i1
      %convert_element_type3A_97 = arith.extui %eq3A_96 : i1 to i32
      %cond3A_98 = arith.constant 0 : i32
      %cond3A_99 = arith.cmpi ne, %convert_element_type3A_97, %cond3A_98 : i32
      scf.if %cond3A_99 {
        "tpu.region"() ({
          %run_scoped3A_107 = tpu.sem_alloc : memref<!tpu.dma_semaphore, #tpu.memory_space<semaphore_mem>>
          %dma_start3A_108 = arith.constant 0 : i32
          %dma_start3A_109 = tpu.memref_slice %arg11[%scan3A_40, %dma_start3A_108] : memref<2x400xi32, #tpu.memory_space<vmem>> -> memref<1x400xi32, #tpu.memory_space<vmem>>
          %dma_start3A_110 = tpu.memref_squeeze %dma_start3A_109 : memref<1x400xi32, #tpu.memory_space<vmem>> -> memref<400xi32, #tpu.memory_space<vmem>>
          %dma_start3A_111 = arith.constant 0 : i32
          %dma_start3A_112 = arith.constant 0 : i32
          %dma_start3A_113 = tpu.memref_slice %arg15[%dma_start3A_111, %dma_start3A_112] : memref<10000x8xf32, #tpu.memory_space<vmem_shared>> -> memref<10000x8xf32, #tpu.memory_space<vmem_shared>>
          tpu.enqueue_indirect_dma source(%arg13 : memref<400x8xf32, #tpu.memory_space<vmem>>) target(%dma_start3A_113 : memref<10000x8xf32, #tpu.memory_space<vmem_shared>>) offsets(%dma_start3A_110 : memref<400xi32, #tpu.memory_space<vmem>>) semaphore(%run_scoped3A_107 : memref<!tpu.dma_semaphore, #tpu.memory_space<semaphore_mem>>) {add = true}
          %dma_wait3A_114 = arith.constant 0 : i32
          %dma_wait3A_115 = tpu.memref_slice %arg11[%scan3A_40, %dma_wait3A_114] : memref<2x400xi32, #tpu.memory_space<vmem>> -> memref<1x400xi32, #tpu.memory_space<vmem>>
          %dma_wait3A_116 = tpu.memref_squeeze %dma_wait3A_115 : memref<1x400xi32, #tpu.memory_space<vmem>> -> memref<400xi32, #tpu.memory_space<vmem>>
          %dma_wait3A_117 = arith.constant 0 : i32
          %dma_wait3A_118 = arith.constant 0 : i32
          %dma_wait3A_119 = tpu.memref_slice %arg15[%dma_wait3A_117, %dma_wait3A_118] : memref<10000x8xf32, #tpu.memory_space<vmem_shared>> -> memref<10000x8xf32, #tpu.memory_space<vmem_shared>>
          tpu.wait_indirect_dma semaphore(%run_scoped3A_107 : memref<!tpu.dma_semaphore, #tpu.memory_space<semaphore_mem>>) src(%arg13 : memref<400x8xf32, #tpu.memory_space<vmem>>) dst(%dma_wait3A_119 : memref<10000x8xf32, #tpu.memory_space<vmem_shared>>)
          tpu.yield
        }) : () -> ()
      } else {
      }
      %add3A_100 = arith.constant 3 : i32
      %add3A_101 = arith.addi %mul3A_55, %add3A_100 : i32
      %lt3A_102 = arith.constant 50 : i32
      %lt3A_103 = arith.cmpi slt, %add3A_101, %lt3A_102 : i32
      %convert_element_type3A_104 = arith.extui %lt3A_103 : i1 to i32
      %cond3A_105 = arith.constant 0 : i32
      %cond3A_106 = arith.cmpi ne, %convert_element_type3A_104, %cond3A_105 : i32
      scf.if %cond3A_106 {
        %add3A_107 = arith.constant 3 : i32
        %add3A_108 = arith.addi %mul3A_55, %add3A_107 : i32
        %mul3A_109 = arith.constant 400 : i32
        %mul3A_110 = arith.muli %add3A_108, %mul3A_109 : i32
        %add3A_111 = arith.addi %mul3A_2, %mul3A_110 : i32
        "tpu.region"() ({
          %run_scoped3A_122 = tpu.sem_alloc : memref<!tpu.dma_semaphore, #tpu.memory_space<semaphore_mem>>
          %dma_start3A_123 = arith.constant 0 : i32
          %dma_start3A_124 = tpu.memref_slice %arg10[%scan3A_38, %dma_start3A_123] : memref<2x400xi32, #tpu.memory_space<vmem>> -> memref<1x400xi32, #tpu.memory_space<vmem>>
          %dma_start3A_125 = tpu.memref_squeeze %dma_start3A_124 : memref<1x400xi32, #tpu.memory_space<vmem>> -> memref<400xi32, #tpu.memory_space<vmem>>
          %dma_start3A_126 = tpu.memref_slice %arg3[%arg0, %add3A_111] : memref<2x320000xi32, #tpu.memory_space<hbm>> -> memref<1x400xi32, #tpu.memory_space<hbm>>
          %dma_start3A_127 = tpu.memref_squeeze %dma_start3A_126 : memref<1x400xi32, #tpu.memory_space<hbm>> -> memref<400xi32, #tpu.memory_space<hbm>>
          %dma_start3A_128 = arith.constant 0 : i32
          %dma_start3A_129 = tpu.memref_slice %arg10[%scan3A_38, %dma_start3A_128] : memref<2x400xi32, #tpu.memory_space<vmem>> -> memref<1x400xi32, #tpu.memory_space<vmem>>
          %dma_start3A_130 = tpu.memref_squeeze %dma_start3A_129 : memref<1x400xi32, #tpu.memory_space<vmem>> -> memref<400xi32, #tpu.memory_space<vmem>>
          %dma_start3A_131 = tpu.memref_slice %arg3[%arg0, %add3A_111] : memref<2x320000xi32, #tpu.memory_space<hbm>> -> memref<1x400xi32, #tpu.memory_space<hbm>>
          %dma_start3A_132 = tpu.memref_squeeze %dma_start3A_131 : memref<1x400xi32, #tpu.memory_space<hbm>> -> memref<400xi32, #tpu.memory_space<hbm>>
          tpu.enqueue_dma source(%dma_start3A_132 : memref<400xi32, #tpu.memory_space<hbm>>) target(%dma_start3A_130 : memref<400xi32, #tpu.memory_space<vmem>>) target_semaphore(%run_scoped3A_122 : memref<!tpu.dma_semaphore, #tpu.memory_space<semaphore_mem>>)
          %dma_wait3A_133 = arith.constant 0 : i32
          %dma_wait3A_134 = tpu.memref_slice %arg10[%scan3A_38, %dma_wait3A_133] : memref<2x400xi32, #tpu.memory_space<vmem>> -> memref<1x400xi32, #tpu.memory_space<vmem>>
          %dma_wait3A_135 = tpu.memref_squeeze %dma_wait3A_134 : memref<1x400xi32, #tpu.memory_space<vmem>> -> memref<400xi32, #tpu.memory_space<vmem>>
          %dma_wait3A_136 = tpu.memref_slice %arg3[%arg0, %add3A_111] : memref<2x320000xi32, #tpu.memory_space<hbm>> -> memref<1x400xi32, #tpu.memory_space<hbm>>
          %dma_wait3A_137 = tpu.memref_squeeze %dma_wait3A_136 : memref<1x400xi32, #tpu.memory_space<hbm>> -> memref<400xi32, #tpu.memory_space<hbm>>
          %dma_wait3A_138 = arith.constant 0 : i32
          %dma_wait3A_139 = tpu.memref_slice %arg10[%scan3A_38, %dma_wait3A_138] : memref<2x400xi32, #tpu.memory_space<vmem>> -> memref<1x400xi32, #tpu.memory_space<vmem>>
          %dma_wait3A_140 = tpu.memref_squeeze %dma_wait3A_139 : memref<1x400xi32, #tpu.memory_space<vmem>> -> memref<400xi32, #tpu.memory_space<vmem>>
          %dma_wait3A_141 = tpu.memref_slice %arg3[%arg0, %add3A_111] : memref<2x320000xi32, #tpu.memory_space<hbm>> -> memref<1x400xi32, #tpu.memory_space<hbm>>
          %dma_wait3A_142 = tpu.memref_squeeze %dma_wait3A_141 : memref<1x400xi32, #tpu.memory_space<hbm>> -> memref<400xi32, #tpu.memory_space<hbm>>
          tpu.wait_dma2 semaphore(%run_scoped3A_122 : memref<!tpu.dma_semaphore, #tpu.memory_space<semaphore_mem>>) src(%dma_wait3A_142 : memref<400xi32, #tpu.memory_space<hbm>>) dst(%dma_wait3A_140 : memref<400xi32, #tpu.memory_space<vmem>>)
          tpu.yield
        }) : () -> ()
        "tpu.region"() ({
          %run_scoped3A_122 = tpu.sem_alloc : memref<!tpu.dma_semaphore, #tpu.memory_space<semaphore_mem>>
          %dma_start3A_123 = arith.constant 0 : i32
          %dma_start3A_124 = tpu.memref_slice %arg11[%scan3A_40, %dma_start3A_123] : memref<2x400xi32, #tpu.memory_space<vmem>> -> memref<1x400xi32, #tpu.memory_space<vmem>>
          %dma_start3A_125 = tpu.memref_squeeze %dma_start3A_124 : memref<1x400xi32, #tpu.memory_space<vmem>> -> memref<400xi32, #tpu.memory_space<vmem>>
          %dma_start3A_126 = tpu.memref_slice %arg4[%add3A_111] : memref<320000xi32, #tpu.memory_space<hbm>> -> memref<400xi32, #tpu.memory_space<hbm>>
          %dma_start3A_127 = arith.constant 0 : i32
          %dma_start3A_128 = tpu.memref_slice %arg11[%scan3A_40, %dma_start3A_127] : memref<2x400xi32, #tpu.memory_space<vmem>> -> memref<1x400xi32, #tpu.memory_space<vmem>>
          %dma_start3A_129 = tpu.memref_squeeze %dma_start3A_128 : memref<1x400xi32, #tpu.memory_space<vmem>> -> memref<400xi32, #tpu.memory_space<vmem>>
          %dma_start3A_130 = tpu.memref_slice %arg4[%add3A_111] : memref<320000xi32, #tpu.memory_space<hbm>> -> memref<400xi32, #tpu.memory_space<hbm>>
          tpu.enqueue_dma source(%dma_start3A_130 : memref<400xi32, #tpu.memory_space<hbm>>) target(%dma_start3A_129 : memref<400xi32, #tpu.memory_space<vmem>>) target_semaphore(%run_scoped3A_122 : memref<!tpu.dma_semaphore, #tpu.memory_space<semaphore_mem>>)
          %dma_wait3A_131 = arith.constant 0 : i32
          %dma_wait3A_132 = tpu.memref_slice %arg11[%scan3A_40, %dma_wait3A_131] : memref<2x400xi32, #tpu.memory_space<vmem>> -> memref<1x400xi32, #tpu.memory_space<vmem>>
          %dma_wait3A_133 = tpu.memref_squeeze %dma_wait3A_132 : memref<1x400xi32, #tpu.memory_space<vmem>> -> memref<400xi32, #tpu.memory_space<vmem>>
          %dma_wait3A_134 = tpu.memref_slice %arg4[%add3A_111] : memref<320000xi32, #tpu.memory_space<hbm>> -> memref<400xi32, #tpu.memory_space<hbm>>
          %dma_wait3A_135 = arith.constant 0 : i32
          %dma_wait3A_136 = tpu.memref_slice %arg11[%scan3A_40, %dma_wait3A_135] : memref<2x400xi32, #tpu.memory_space<vmem>> -> memref<1x400xi32, #tpu.memory_space<vmem>>
          %dma_wait3A_137 = tpu.memref_squeeze %dma_wait3A_136 : memref<1x400xi32, #tpu.memory_space<vmem>> -> memref<400xi32, #tpu.memory_space<vmem>>
          %dma_wait3A_138 = tpu.memref_slice %arg4[%add3A_111] : memref<320000xi32, #tpu.memory_space<hbm>> -> memref<400xi32, #tpu.memory_space<hbm>>
          tpu.wait_dma2 semaphore(%run_scoped3A_122 : memref<!tpu.dma_semaphore, #tpu.memory_space<semaphore_mem>>) src(%dma_wait3A_138 : memref<400xi32, #tpu.memory_space<hbm>>) dst(%dma_wait3A_137 : memref<400xi32, #tpu.memory_space<vmem>>)
          tpu.yield
        }) : () -> ()
        %dma_start3A_112 = arith.constant 0 : i32
        %dma_start3A_113 = arith.constant 0 : i32
        %dma_start3A_114 = tpu.memref_slice %arg12[%scan3A_39, %dma_start3A_112, %dma_start3A_113] : memref<2x400x64xf32, #tpu.memory_space<vmem>> -> memref<1x400x64xf32, #tpu.memory_space<vmem>>
        %dma_start3A_115 = tpu.memref_squeeze %dma_start3A_114 : memref<1x400x64xf32, #tpu.memory_space<vmem>> -> memref<400x64xf32, #tpu.memory_space<vmem>>
        %dma_start3A_116 = arith.constant 0 : i32
        %dma_start3A_117 = tpu.memref_slice %arg10[%scan3A_38, %dma_start3A_116] : memref<2x400xi32, #tpu.memory_space<vmem>> -> memref<1x400xi32, #tpu.memory_space<vmem>>
        %dma_start3A_118 = tpu.memref_squeeze %dma_start3A_117 : memref<1x400xi32, #tpu.memory_space<vmem>> -> memref<400xi32, #tpu.memory_space<vmem>>
        %dma_start3A_119 = arith.constant 0 : i32
        %dma_start3A_120 = arith.constant 0 : i32
        %dma_start3A_121 = tpu.memref_slice %arg2[%dma_start3A_119, %dma_start3A_120] : memref<20000x64xf32, #tpu.memory_space<hbm>> -> memref<20000x64xf32, #tpu.memory_space<hbm>>
        tpu.enqueue_indirect_dma source(%dma_start3A_121 : memref<20000x64xf32, #tpu.memory_space<hbm>>) target(%dma_start3A_115 : memref<400x64xf32, #tpu.memory_space<vmem>>) offsets(%dma_start3A_118 : memref<400xi32, #tpu.memory_space<vmem>>) semaphore(%arg17 : memref<!tpu.dma_semaphore, #tpu.memory_space<semaphore_mem>>)
      } else {
      }
    }
    %scan3A_45 = arith.constant 25 : i32
    %barrier3A_46 = arith.constant 0 : index
    tpu.barrier barrier_id(%barrier3A_46)
    %mul3A_47 = arith.constant 64 : i32
    %mul3A_48 = arith.muli %arg0, %mul3A_47 : i32
    "tpu.region"() ({
      %run_scoped3A_49 = tpu.sem_alloc : memref<!tpu.dma_semaphore, #tpu.memory_space<semaphore_mem>>
      %dma_start3A_50 = tpu.memref_slice %arg8[%mul3A_0, %mul3A_48] : memref<10000x128xf32, #tpu.memory_space<hbm>> -> memref<625x64xf32, #tpu.memory_space<hbm>>
      %dma_start3A_51 = arith.constant 0 : i32
      %dma_start3A_52 = tpu.memref_slice %arg14[%mul3A_0, %dma_start3A_51] : memref<10000x64xf32, #tpu.memory_space<vmem_shared>> -> memref<625x64xf32, #tpu.memory_space<vmem_shared>>
      tpu.enqueue_dma source(%dma_start3A_52 : memref<625x64xf32, #tpu.memory_space<vmem_shared>>) target(%dma_start3A_50 : memref<625x64xf32, #tpu.memory_space<hbm>>) target_semaphore(%run_scoped3A_49 : memref<!tpu.dma_semaphore, #tpu.memory_space<semaphore_mem>>)
      %dma_wait3A = tpu.memref_slice %arg8[%mul3A_0, %mul3A_48] : memref<10000x128xf32, #tpu.memory_space<hbm>> -> memref<625x64xf32, #tpu.memory_space<hbm>>
      %dma_wait3A_53 = arith.constant 0 : i32
      %dma_wait3A_54 = tpu.memref_slice %arg14[%mul3A_0, %dma_wait3A_53] : memref<10000x64xf32, #tpu.memory_space<vmem_shared>> -> memref<625x64xf32, #tpu.memory_space<vmem_shared>>
      tpu.wait_dma2 semaphore(%run_scoped3A_49 : memref<!tpu.dma_semaphore, #tpu.memory_space<semaphore_mem>>) src(%dma_wait3A_54 : memref<625x64xf32, #tpu.memory_space<vmem_shared>>) dst(%dma_wait3A : memref<625x64xf32, #tpu.memory_space<hbm>>)
      tpu.yield
    }) : () -> ()
    "tpu.region"() ({
      %run_scoped3A_49 = tpu.sem_alloc : memref<!tpu.dma_semaphore, #tpu.memory_space<semaphore_mem>>
      %dma_start3A_50 = arith.constant 0 : i32
      %dma_start3A_51 = tpu.memref_slice %arg9[%arg0, %mul3A_0, %dma_start3A_50] : memref<2x10000x8xf32, #tpu.memory_space<hbm>> -> memref<1x625x8xf32, #tpu.memory_space<hbm>>
      %dma_start3A_52 = tpu.memref_squeeze %dma_start3A_51 : memref<1x625x8xf32, #tpu.memory_space<hbm>> -> memref<625x8xf32, #tpu.memory_space<hbm>>
      %dma_start3A_53 = arith.constant 0 : i32
      %dma_start3A_54 = tpu.memref_slice %arg15[%mul3A_0, %dma_start3A_53] : memref<10000x8xf32, #tpu.memory_space<vmem_shared>> -> memref<625x8xf32, #tpu.memory_space<vmem_shared>>
      tpu.enqueue_dma source(%dma_start3A_54 : memref<625x8xf32, #tpu.memory_space<vmem_shared>>) target(%dma_start3A_52 : memref<625x8xf32, #tpu.memory_space<hbm>>) target_semaphore(%run_scoped3A_49 : memref<!tpu.dma_semaphore, #tpu.memory_space<semaphore_mem>>)
      %dma_wait3A = arith.constant 0 : i32
      %dma_wait3A_55 = tpu.memref_slice %arg9[%arg0, %mul3A_0, %dma_wait3A] : memref<2x10000x8xf32, #tpu.memory_space<hbm>> -> memref<1x625x8xf32, #tpu.memory_space<hbm>>
      %dma_wait3A_56 = tpu.memref_squeeze %dma_wait3A_55 : memref<1x625x8xf32, #tpu.memory_space<hbm>> -> memref<625x8xf32, #tpu.memory_space<hbm>>
      %dma_wait3A_57 = arith.constant 0 : i32
      %dma_wait3A_58 = tpu.memref_slice %arg15[%mul3A_0, %dma_wait3A_57] : memref<10000x8xf32, #tpu.memory_space<vmem_shared>> -> memref<625x8xf32, #tpu.memory_space<vmem_shared>>
      tpu.wait_dma2 semaphore(%run_scoped3A_49 : memref<!tpu.dma_semaphore, #tpu.memory_space<semaphore_mem>>) src(%dma_wait3A_58 : memref<625x8xf32, #tpu.memory_space<vmem_shared>>) dst(%dma_wait3A_56 : memref<625x8xf32, #tpu.memory_space<hbm>>)
      tpu.yield
    }) : () -> ()
    return
  }
}

module attributes {stable_mosaic.version = 14 : i64} {
  func.func @_tc_self_body(%arg0: i32, %arg1: memref<1000x128xf32, #tpu.memory_space<vmem>>, %arg2: memref<128x128xf32, #tpu.memory_space<vmem>>, %arg3: memref<1x128xf32, #tpu.memory_space<vmem>>, %arg4: memref<1000x128xf32, #tpu.memory_space<vmem>>) attributes {dimension_semantics = [#tpu.dimension_semantics<arbitrary>], iteration_bounds = array<i64: 10>, scalar_prefetch = 0 : i64, scratch_operands = 0 : i64, tpu.core_type = #tpu.core_type<tc>, window_params = [{transform_indices = @transform_0, window_bounds = array<i64: 1000, 128>}, {pipeline_mode = #tpu.pipeline_mode<synchronous>, transform_indices = @transform_1, window_bounds = array<i64: 128, 128>}, {pipeline_mode = #tpu.pipeline_mode<synchronous>, transform_indices = @transform_2, window_bounds = array<i64: 1, 128>}, {transform_indices = @transform_3, window_bounds = array<i64: 1000, 128>}]} {
    %get3A = arith.constant 0 : index
    %get3A_0 = arith.constant 0 : index
    %get3A_1 = vector.load %arg1[%get3A, %get3A_0] : memref<1000x128xf32, #tpu.memory_space<vmem>>, vector<1000x128xf32>
    %get3A_2 = arith.constant 0 : index
    %get3A_3 = arith.constant 0 : index
    %get3A_4 = vector.load %arg2[%get3A_2, %get3A_3] : memref<128x128xf32, #tpu.memory_space<vmem>>, vector<128x128xf32>
    %dot_general3A = arith.constant dense<0.000000e+00> : vector<1000x128xf32>
    %dot_general3A_5 = tpu.matmul %get3A_1, %get3A_4, %dot_general3A {dimension_numbers = #tpu.dot_dimension_numbers<[1], [0], [0], [1], [0, 0, 1, 1], [], []>, transpose_lhs_hint = false} : vector<1000x128xf32>, vector<128x128xf32>, vector<1000x128xf32> -> vector<1000x128xf32>
    %get3A_6 = arith.constant 0 : index
    %get3A_7 = arith.constant 0 : index
    %get3A_8 = vector.load %arg3[%get3A_6, %get3A_7] : memref<1x128xf32, #tpu.memory_space<vmem>>, vector<1x128xf32>
    %add3A = vector.broadcast %get3A_8 : vector<1x128xf32> to vector<1000x128xf32>
    %add3A_9 = arith.addf %dot_general3A_5, %add3A : vector<1000x128xf32>
    %swap3A = arith.constant 0 : index
    %swap3A_10 = arith.constant 0 : index
    %swap3A_11 = vector.load %arg4[%swap3A, %swap3A_10] : memref<1000x128xf32, #tpu.memory_space<vmem>>, vector<1000x128xf32>
    tpu.vector_store %arg4[%swap3A, %swap3A_10], %add3A_9 {strides = array<i32>} : memref<1000x128xf32, #tpu.memory_space<vmem>>, vector<1000x128xf32>,
    return
  }
  func.func @transform_0(%arg0: i32) -> (i32, i32) {
    %c0_i32 = arith.constant 0 : i32
    %c0_i32_0 = arith.constant 0 : i32
    return %arg0, %c0_i32 : i32, i32
  }
  func.func @transform_1(%arg0: i32) -> (i32, i32) {
    %c0_i32 = arith.constant 0 : i32
    %c0_i32_0 = arith.constant 0 : i32
    %c0_i32_1 = arith.constant 0 : i32
    return %c0_i32, %c0_i32_0 : i32, i32
  }
  func.func @transform_2(%arg0: i32) -> (i32, i32) {
    %c0_i32 = arith.constant 0 : i32
    %c0_i32_0 = arith.constant 0 : i32
    %c0_i32_1 = arith.constant 0 : i32
    return %c0_i32, %c0_i32_0 : i32, i32
  }
  func.func @transform_3(%arg0: i32) -> (i32, i32) {
    %c0_i32 = arith.constant 0 : i32
    %c0_i32_0 = arith.constant 0 : i32
    return %arg0, %c0_i32 : i32, i32
  }
}

module attributes {stable_mosaic.version = 14 : i64} {
  func.func @_tc_finish_body(%arg0: i32, %arg1: memref<1000x128xf32, #tpu.memory_space<vmem>>, %arg2: memref<1000x128xf32, #tpu.memory_space<vmem>>, %arg3: memref<2x1000x8xf32, #tpu.memory_space<vmem>>, %arg4: memref<128x128xf32, #tpu.memory_space<vmem>>, %arg5: memref<1000x128xf32, #tpu.memory_space<vmem>>) attributes {dimension_semantics = [#tpu.dimension_semantics<arbitrary>], iteration_bounds = array<i64: 10>, scalar_prefetch = 0 : i64, scratch_operands = 0 : i64, tpu.core_type = #tpu.core_type<tc>, window_params = [{transform_indices = @transform_0, window_bounds = array<i64: 1000, 128>}, {transform_indices = @transform_1, window_bounds = array<i64: 1000, 128>}, {transform_indices = @transform_2, window_bounds = array<i64: 2, 1000, 8>}, {pipeline_mode = #tpu.pipeline_mode<synchronous>, transform_indices = @transform_3, window_bounds = array<i64: 128, 128>}, {transform_indices = @transform_4, window_bounds = array<i64: 1000, 128>}]} {
    %get3A = arith.constant 0 : index
    %get3A_0 = arith.constant 0 : index
    %get3A_1 = arith.constant 0 : index
    %get3A_2 = vector.load %arg3[%get3A, %get3A_0, %get3A_1] : memref<2x1000x8xf32, #tpu.memory_space<vmem>>, vector<1x1000x1xf32>
    %get3A_3 = vector.shape_cast %get3A_2 : vector<1x1000x1xf32> to vector<1000x1xf32>
    %get3A_4 = arith.constant 1 : index
    %get3A_5 = arith.constant 0 : index
    %get3A_6 = arith.constant 0 : index
    %get3A_7 = vector.load %arg3[%get3A_4, %get3A_5, %get3A_6] : memref<2x1000x8xf32, #tpu.memory_space<vmem>>, vector<1x1000x1xf32>
    %get3A_8 = vector.shape_cast %get3A_7 : vector<1x1000x1xf32> to vector<1000x1xf32>
    %add3A = arith.addf %get3A_3, %get3A_8 : vector<1000x1xf32>
    %max3A = arith.constant 1.000000e+00 : f32
    %max3A_9 = vector.broadcast %max3A : f32 to vector<1000x1xf32>
    %max3A_10 = arith.maximumf %add3A, %max3A_9 : vector<1000x1xf32>
    %get3A_11 = arith.constant 0 : index
    %get3A_12 = arith.constant 0 : index
    %get3A_13 = vector.load %arg2[%get3A_11, %get3A_12] : memref<1000x128xf32, #tpu.memory_space<vmem>>, vector<1000x128xf32>
    %div3A = vector.broadcast %max3A_10 : vector<1000x1xf32> to vector<1000x128xf32>
    %div3A_14 = arith.divf %get3A_13, %div3A : vector<1000x128xf32>
    %get3A_15 = arith.constant 0 : index
    %get3A_16 = arith.constant 0 : index
    %get3A_17 = vector.load %arg4[%get3A_15, %get3A_16] : memref<128x128xf32, #tpu.memory_space<vmem>>, vector<128x128xf32>
    %dot_general3A = arith.constant dense<0.000000e+00> : vector<1000x128xf32>
    %dot_general3A_18 = tpu.matmul %div3A_14, %get3A_17, %dot_general3A {dimension_numbers = #tpu.dot_dimension_numbers<[1], [0], [0], [1], [0, 0, 1, 1], [], []>, transpose_lhs_hint = false} : vector<1000x128xf32>, vector<128x128xf32>, vector<1000x128xf32> -> vector<1000x128xf32>
    %get3A_19 = arith.constant 0 : index
    %get3A_20 = arith.constant 0 : index
    %get3A_21 = vector.load %arg1[%get3A_19, %get3A_20] : memref<1000x128xf32, #tpu.memory_space<vmem>>, vector<1000x128xf32>
    %add3A_22 = arith.addf %dot_general3A_18, %get3A_21 : vector<1000x128xf32>
    %max3A_23 = arith.constant 0.000000e+00 : f32
    %max3A_24 = vector.broadcast %max3A_23 : f32 to vector<1000x128xf32>
    %max3A_25 = arith.maximumf %add3A_22, %max3A_24 : vector<1000x128xf32>
    %swap3A = arith.constant 0 : index
    %swap3A_26 = arith.constant 0 : index
    %swap3A_27 = vector.load %arg5[%swap3A, %swap3A_26] : memref<1000x128xf32, #tpu.memory_space<vmem>>, vector<1000x128xf32>
    tpu.vector_store %arg5[%swap3A, %swap3A_26], %max3A_25 {strides = array<i32>} : memref<1000x128xf32, #tpu.memory_space<vmem>>, vector<1000x128xf32>,
    return
  }
  func.func @transform_0(%arg0: i32) -> (i32, i32) {
    %c0_i32 = arith.constant 0 : i32
    %c0_i32_0 = arith.constant 0 : i32
    return %arg0, %c0_i32 : i32, i32
  }
  func.func @transform_1(%arg0: i32) -> (i32, i32) {
    %c0_i32 = arith.constant 0 : i32
    %c0_i32_0 = arith.constant 0 : i32
    return %arg0, %c0_i32 : i32, i32
  }
  func.func @transform_2(%arg0: i32) -> (i32, i32, i32) {
    %c0_i32 = arith.constant 0 : i32
    %c0_i32_0 = arith.constant 0 : i32
    %c0_i32_1 = arith.constant 0 : i32
    return %c0_i32, %arg0, %c0_i32_0 : i32, i32, i32
  }
  func.func @transform_3(%arg0: i32) -> (i32, i32) {
    %c0_i32 = arith.constant 0 : i32
    %c0_i32_0 = arith.constant 0 : i32
    %c0_i32_1 = arith.constant 0 : i32
    return %c0_i32, %c0_i32_0 : i32, i32
  }
  func.func @transform_4(%arg0: i32) -> (i32, i32) {
    %c0_i32 = arith.constant 0 : i32
    %c0_i32_0 = arith.constant 0 : i32
    return %arg0, %c0_i32 : i32, i32
  }
}

</mosaic_0001>

<sc_bundles>
// kernel: kernel.5.cloned.1.call-start
scs
__scs_entry_jumppad:
0x0: {  	(pc) =	sbr.rel $0x88, $3  }
0x1: {  	(tag) =	ssettag $0x0;
	lr =	simm.s32 $0x1  }
0x2: {  	[smem:$0x3F9C] =	sst lr;
	_ =	strace $0xD0000000  }
0x3: {  	_ = 	snop  }
0x4: {  	_ = 	snop  }
0x5: {  	_ = 	snop  }
0x6: {  	_ = 	snop  }
0x7: {  	_ = 	snop  }
__scs_overlays_trampoline_lowered:
0x8: {  	[smem:$0x3FAB] =	sst s0  }
0x9: {  	[smem:$0x3FAC] =	sst s1  }
0xa: {  	[smem:$0x3FAD] =	sst s2  }
0xb: {  	[smem:$0x3FAE] =	sst s3  }
0xc: {  	[smem:$0x3FAF] =	sst s4  }
0xd: {  	[smem:$0x3FB0] =	sst s5  }
0xe: {  	[smem:$0x3FB1] =	sst s6  }
0xf: {  	[smem:$0x3FB2] =	sst s7  }
0x10: {  	[smem:$0x3FB3] =	sst s8  }
0x11: {  	[smem:$0x3FB4] =	sst s9;
	s0 =	simm.s32 @!p0 $0x0  }
0x12: {  	s1 =	sld [smem:$0x3F9A];
	s0 =	simm.s32 @p0 $0x1  }
0x13: {  	[smem:$0x3FB5] =	sst s0;
	s0 =	simm.s32 @!p1 $0x0  }
0x14: {  	s2 =	sld [smem:$0x3F99];
	s0 =	simm.s32 @p1 $0x1  }
0x15: {  	[smem:$0x3FB6] =	sst s0;
	s0 =	simm.s32 @!p2 $0x0  }
0x16: {  	s3 =	sld [smem:$0x3FDB];
	s0 =	simm.s32 @p2 $0x1  }
0x17: {  	s4 =	simm.s32 $0x1BF5;
	[smem:$0x3FB8] =	sst s0  }
0x18: {  	s0 =	sld [smem:$0x3F9B];
	_ =	swait.ge [sflag:s4], $0x0  }
0x19: {  	s7 =	sld [smem:$0x3F9C]  }
0x1a: {  	s8 =	sadd.s32 $0xFFFFE003, lr  }
0x1b: {  	s9 =	sadd.s32 $0xFFFFFEF7, lr;
	s5 =	simm.s32 $0xFFFFFFFF;
	p2 =	slt.u32 s8, $0xFFFFF086  }
0x1c: {  	p1 =	slt.u32 s9, $0xF7A;
	s5 =	simm.s32 @!p2 $0x0  }
0x1d: {  	s5 =	simm.s32 @p1 $0x1;
	p0 =	seq.s32 s7, s2  }
0x1e: {  	s7 =	smul.u32 @!p0 $0xF7A, s2;
	p2 =	seq.s32 @!p0 s5, $0x0  }
0x1f: {  	s9 =	smul.u32 $0xF7A, s1;
	s8 =	simm.s32 @!p0 $0x1BF5;
	p2 =	por !p2, p0  }
0x20: {  	[sflag:s8] =	ssyncset.s32 @!p0 $0xFFFFF086;
	s6 =	sadd.s32 @!p0 s3, s7;
	s7 =	simm.s32 @!p0 $0x108  }
0x21: {  	s3 =	sadd.s32 s3, s9;
	s6 =	sadd.s32 @!p0 $0x88, s6;
	s7 =	simm.s32 @p2 $0x1082  }
0x22: {  	[simem:s7], [sflag:s8] =	dma.local @!p0 [hbm:s6], $0xF7A  }
0x23: {  	s9 =	sor.u32 $0xD0000000, s2;
	s6 =	simm.s32 $0x108;
	_ =	swait.ge @!p0 [sflag:s8], $0x0  }
0x24: {  	s3 =	sadd.s32 $0x88, s3;
	s6 =	simm.s32 @!p1 $0x1082;
	[sflag:s4] =	ssyncset.s32 $0xFFFFF086  }
0x25: {  	[simem:s6], [sflag:s4] =	dma.local [hbm:s3], $0xF7A  }
0x26: {  	[smem:$0x3F9C] =	sst s1;
	(tag) =	ssettag s2;
	_ =	strace s9  }
0x27: {  	s1 =	sld [smem:$0x3FAC]  }
0x28: {  	s2 =	sld [smem:$0x3FAD]  }
0x29: {  	s4 =	sld [smem:$0x3FAF]  }
0x2a: {  	p0 =	seq.s32 s5, $0x0;
	s5 =	sld [smem:$0x3FB0]  }
0x2b: {  	s6 =	sld [smem:$0x3FB1]  }
0x2c: {  	s7 =	sld [smem:$0x3FB2]  }
0x2d: {  	s3 =	simm.s32 $0x108;
	s8 =	sld [smem:$0x3FB3]  }
0x2e: {  	s3 =	simm.s32 @!p0 $0x1082;
	s9 =	sld [smem:$0x3FB4]  }
0x2f: {  	lr =	sadd.s32 s0, s3;
	s0 =	sld [smem:$0x3FAB]  }
0x30: {  	s3 =	sld [smem:$0x3FAE]  }
0x31: {  	[smem:$0x3FB7] =	sst s10  }
0x32: {  	s10 =	sld [smem:$0x3FB5];
	_ =	sdelay $0x3  }
0x33: {  	p0 =	seq.s32 s10, $0x1;
	s10 =	sld [smem:$0x3FB7];
	_ =	sdelay $0x3  }
0x34: {  	[smem:$0x3FB7] =	sst s10  }
0x35: {  	s10 =	sld [smem:$0x3FB6];
	_ =	sdelay $0x3  }
0x36: {  	p1 =	seq.s32 s10, $0x1;
	s10 =	sld [smem:$0x3FB7];
	_ =	sdelay $0x3  }
0x37: {  	[smem:$0x3FB7] =	sst s10  }
0x38: {  	s10 =	sld [smem:$0x3FB8]  }
0x39: {  	_ = 	snop;
	(pc) =	sbr.ind lr, $3  }
0x3a: {  	_ = 	snop  }
0x3b: {  	_ = 	snop  }
0x3c: {  	p2 =	seq.s32 s10, $0x1;
	s10 =	sld [smem:$0x3FB7]  }
0x3d: {  	_ =	shalt  }
0x3e: {  	_ =	shalt  }
0x3f: {  	_ =	shalt  }
0x40: {  	_ =	shalt  }
0x41: {  	_ =	shalt  }
0x42: {  	_ =	shalt  }
0x43: {  	_ =	shalt  }
0x44: {  	_ =	shalt  }
0x45: {  	_ =	shalt  }
0x46: {  	_ =	shalt  }
0x47: {  	_ =	shalt  }
0x48: {  	_ =	shalt  }
0x49: {  	_ =	shalt  }
0x4a: {  	_ =	shalt  }
0x4b: {  	_ =	shalt  }
0x4c: {  	_ =	shalt  }
0x4d: {  	_ =	shalt  }
0x4e: {  	_ =	shalt  }
0x4f: {  	_ =	shalt  }
0x50: {  	_ =	shalt  }
0x51: {  	_ =	shalt  }
0x52: {  	_ =	shalt  }
0x53: {  	_ =	shalt  }
0x54: {  	_ =	shalt  }
0x55: {  	_ =	shalt  }
0x56: {  	_ =	shalt  }
0x57: {  	_ =	shalt  }
0x58: {  	_ =	shalt  }
0x59: {  	_ =	shalt  }
0x5a: {  	_ =	shalt  }
0x5b: {  	_ =	shalt  }
0x5c: {  	_ =	shalt  }
0x5d: {  	_ =	shalt  }
0x5e: {  	_ =	shalt  }
0x5f: {  	_ =	shalt  }
0x60: {  	_ =	shalt  }
0x61: {  	_ =	shalt  }
0x62: {  	_ =	shalt  }
0x63: {  	_ =	shalt  }
0x64: {  	_ =	shalt  }
0x65: {  	_ =	shalt  }
0x66: {  	_ =	shalt  }
0x67: {  	_ =	shalt  }
0x68: {  	_ =	shalt  }
0x69: {  	_ =	shalt  }
0x6a: {  	_ =	shalt  }
0x6b: {  	_ =	shalt  }
0x6c: {  	_ =	shalt  }
0x6d: {  	_ =	shalt  }
0x6e: {  	_ =	shalt  }
0x6f: {  	_ =	shalt  }
0x70: {  	_ =	shalt  }
0x71: {  	_ =	shalt  }
0x72: {  	_ =	shalt  }
0x73: {  	_ =	shalt  }
0x74: {  	_ =	shalt  }
0x75: {  	_ =	shalt  }
0x76: {  	_ =	shalt  }
0x77: {  	_ =	shalt  }
0x78: {  	_ =	shalt  }
0x79: {  	_ =	shalt  }
0x7a: {  	_ =	shalt  }
0x7b: {  	_ =	shalt  }
0x7c: {  	_ =	shalt  }
0x7d: {  	_ =	shalt  }
0x7e: {  	_ =	shalt  }
0x7f: {  	_ =	shalt  }
0x80: {  	_ =	shalt  }
0x81: {  	_ =	shalt  }
0x82: {  	_ =	shalt  }
0x83: {  	_ =	shalt  }
0x84: {  	_ =	shalt  }
0x85: {  	_ =	shalt  }
0x86: {  	_ =	shalt  }
0x87: {  	_ =	shalt  }
.Lfunc_end0:
.L_simem_size_0:
called_computation_lowered:
.L_overlay_start_0:
0x88: {  	s2 =	sld [smem:$0x3FD9]  }
0x89: {  	s3 =	sld [smem:$0x3FFE];
	_ =	sdelay $0x1  }
0x8a: {  	s1 =	srdreg.scid  }
0x8b: {  	s0 =	sand.u32 $0x1, s1  }
0x8c: {  	s17 =	sshll.u32 s0, $0xA;
	s2 =	sadd.s32 s3, s2  }
0x8d: {  	s2 =	sadd.s32 s2, s17  }
0x8e: {  	[smem:$0x3FC3] =	sst s2  }
0x8f: {  	_ = 	snop  }
0x90: {  	s2 =	sld [smem:$0x3FC9]  }
0x91: {  	s18 =	sld [smem:$0x3FD0];
	(tm) =	ssettm $0x1  }
0x92: {  	s4 =	sld [smem:$0x3FFB];
	_ =	sdelay $0x3  }
0x93: {  	_ =	strace s4  }
0x94: {  	s4 =	sld [smem:$0x3FFC];
	_ =	sdelay $0x3  }
0x95: {  	_ =	strace s4  }
0x96: {  	s4 =	sld [smem:$0x3FFD];
	_ =	sdelay $0x3  }
0x97: {  	_ =	strace s4  }
0x98: {  	_ =	strace $0x8FFFFFFF  }
0x99: {  	s19 =	sld [smem:$0x3FDB];
	_ =	sdelay $0x1  }
0x9a: {  	s5 =	simm.s32 $_scs_section_size  }
0x9b: {  	s6 =	simm.s32 $_size__tile_overlayer_lowered;
	s7 =	simm.s32 $_tile_overlayer_lowered  }
0x9c: {  	s22 =	simm.s32 $0x1BFF;
	s21 =	sshll.u32 s7, $0x1;
	s4 =	sadd.s32 s5, s19  }
0x9d: {  	s8 =	simm.s32 $0x0;
	s20 =	sshll.u32 s6, $0x1;
	s6 =	sadd.s32 s21, s4  }
0x9e: {  	[timem:s8], [sflag:s22] =	dma.local [hbm:s6], s20  }
0x9f: {  	_ =	swait.ge [sflag:s22], s20  }
0xa0: {  	s5 =	ssub.s32 $0x0, s20;
	[sflag:s22] =	ssyncset.done $0x0  }
0xa1: {  	[sflag:s22] =	ssyncadd.s32 s5;
	_ =	sdelay $0x1  }
0xa2: {  	s23 =	simm.s32 $0x1B8B  }
0xa3: {  	_ =	swait.ge [sflag:s23], $0x1  }
0xa4: {  	[sflag:s23] =	ssyncset.done $0x0  }
0xa5: {  	s25 =	simm.s32 $0x1B8E;
	s24 =	sld [smem:$0x3FFE];
	[sflag:s23] =	ssyncadd.s32 $0xFFFFFFFF  }
0xa6: {  	s26 =	simm.s32 $execute0_lowered;
	[smem:$0x3FD2] =	sst s25  }
0xa7: {  	s6 =	sshll.u32 s26, $0x1;
	_ =	strace $0x80000046;
	[dreg:$0x1] =	wrdreg $0xFFFFFFFF  }
0xa8: {  	s28 =	simm.s32 $_size_execute0_lowered;
	s4 =	sadd.s32 s4, s6;
	[dreg:$0x0] =	wrdreg $0x0  }
0xa9: {  	s6 =	sshll.u32 s28, $0x1;
	[dreg:$0x2] =	wrdreg s4  }
0xaa: {  	[dreg:$0x3] =	wrdreg s6  }
0xab: {  	[dreg:$0x4] =	wrdreg $0xC0  }
0xac: {  	_ =	task [dreg:s8], $0x5FFFF  }
0xad: {  	[dreg:$0x1] =	wrdreg $0xFFFFFFFF  }
0xae: {  	[dreg:$0x0] =	wrdreg $0x60  }
0xaf: {  	[dreg:$0x2] =	wrdreg s2  }
0xb0: {  	[dreg:$0x3] =	wrdreg s24  }
0xb1: {  	[dreg:$0x4] =	wrdreg s18  }
0xb2: {  	[dreg:$0x5] =	wrdreg $0xDAC00  }
0xb3: {  	[dreg:$0x6] =	wrdreg $0x177000  }
0xb4: {  	[dreg:$0x7] =	wrdreg $0x9  }
0xb5: {  	_ =	task.clear_ibuf [dreg:s8], $0x8FFFF;
	_ =	strace $0x90000046  }
0xb6: {  	s29 =	simm.s32 $0x9;
	_ =	strace $0x80000048  }
0xb7: {  	_ =	swait.ge [sflag:s29], $0x1  }
0xb8: {  	[sflag:s29] =	ssyncadd.s32 $0xFFFFFFFF  }
0xb9: {  	_ =	strace $0x90000048  }
0xba: {  	_ =	sfence  }
0xbb: {  	s30 =	sld [smem:$0x0];
	_ =	sdelay $0x2  }
0xbc: {  	s31 =	sshll.u32 s1, $0xD;
	s1 =	sshrl.u32 s1, $0x2  }
0xbd: {  	s3 =	sand.u32 $0x4000, s31;
	s1 =	sadd.s32 s1, s30  }
0xbe: {  	s0 =	sor.u32 s3, s0;
	s1 =	sshll.u32 s1, $0x11  }
0xbf: {  	s0 =	sor.u32 s1, s0  }
0xc0: {  	s0 =	sadd.s32 $0x8F2B, s0  }
0xc1: {  	[sflag:s0] =	ssyncadd.remote.s32 $0x1  }
0xc2: {  	_ =	sfence.sel $0xFFFF  }
0xc3: {  	[dreg:$0x0] =	wrdreg $0xFFFFFFFF;
	(pc) =	sbr.abs _section_cstart, $3  }
0xc4: {  	[dreg:$0x1] =	wrdreg $0xFFFFFFFF  }
0xc5: {  	_ =	task.clear_ibuf [dreg:s8], $0x2FFFF;
	_ =	strace $0x9FFFFFFF  }
0xc6: {  	(tm) =	ssettm $0x7FFFFFFF  }
0xc7: {  	_ =	shalt  }
tec
execute0_lowered:
.L_overlay_start_1:
0x0: {  	(tag) =	ssettag $0x1  }
0x1: {  	s1 =	rddreg [dreg:$0x0]  }
0x2: {  	s0 =	rddreg [dreg:$0x1]  }
0x3: {  	s4 =	rddreg [dreg:$0x2]  }
0x4: {  	s2 =	rddreg [dreg:$0x3]  }
0x5: {  	s3 =	rddreg [dreg:$0x4]  }
0x6: {  	s5 =	simm.s32 $0x0;
	s7 =	srdreg.scid;
	s18 =	stileid.u32  }
0x7: {  	s28 =	simm.s32 $0x640;
	s29 =	simm.s32 $0x4B0;
	s30 =	simm.s32 $0x6A40  }
0x8: {  	s31 =	simm.s32 $0x1;
	[smem:$0x7FF] =	sst s5;
	s6 =	sadd.s32 $0xB400, s0  }
0x9: {  	s7 =	sand.u32 $0x1, s7;
	s8 =	smul.u32 $0x1388, s18;
	s9 =	sadd.s32 $0x1600, s0  }
0xa: {  	s10 =	sadd.s32 $0x1F400, s0;
	s11 =	sadd.s32 $0x1F000, s0;
	s25 =	smul.u32 $0x27100, s18  }
0xb: {  	s14 =	smul.u32 $0x4E20, s18;
	_ =	strace $0x80000047;
	[dreg:$0x6] =	wrdreg s10  }
0xc: {  	s24 =	sadd.s32 $0x1EE00, s0;
	s16 =	smul.u32 $0x13880, s18;
	[dreg:$0x7] =	wrdreg s11  }
0xd: {  	s19 =	sshll.u32 s18, $0x6;
	s23 =	smul.u32 $0x13880, s7;
	[dreg:$0x8] =	wrdreg s24  }
0xe: {  	s12 =	ssub.s32 $0x2, s7;
	s15 =	smul.u32 $0x4E200, s7;
	s17 =	sshll.u32 s7, $0x6  }
0xf: {  	p0 =	seq.s32 s7, $0x0;
	s13 =	sshrl.u32 s12, $0x1;
	s11 =	sshrl.u32 s25, $0x2  }
0x10: {  	s21 =	sadd.s32 $0x190, s14;
	s16 =	sor.u32 s17, s16;
	s10 =	sadd.s32 s8, s23  }
0x11: {  	s26 =	ssub.s32 s12, s13;
	s11 =	sadd.s32 s11, s2;
	s12 =	sadd.s32 s14, s15  }
0x12: {  	s8 =	sadd.s32 s8, s3;
	s14 =	sshrl.u32 s14, $0x3;
	s15 =	sadd.s32 s15, s21  }
0x13: {  	s17 =	sshrl.u32 s16, $0x3;
	s10 =	sshrl.u32 s10, $0x3;
	[dreg:$0x9] =	wrdreg s11  }
0x14: {  	s11 =	sor.u32 $0x1C03, s19;
	[dreg:$0xa] =	wrdreg s8;
	s20 =	sshrl.u32 s12, $0x3  }
0x15: {  	s22 =	sadd.s32 s9, s14;
	s15 =	sshrl.u32 s15, $0x3;
	s19 =	smul.u32 $0x9C4, s18  }
0x16: {  	s17 =	sadd.s32 s4, s17;
	s25 =	sadd.s32 $0x4B0, s12;
	s4 =	simm.s32 $0x0  }
0x17: {  	s0 =	sadd.s32 s10, s0;
	s8 =	sadd.s32 s6, s20;
	[dreg:$0xc] =	wrdreg s22  }
0x18: {  	s23 =	sadd.s32 s6, s15;
	[dreg:$0xb] =	wrdreg s8;
	s8 =	sshrl.u32 s21, $0x3  }
.Ltmp0:
0x19: {  	[dreg:$0xd] =	wrdreg s23;
	s18 =	sadd.s32 $0x20800, s0;
	(pc) =	sbr.rel .LBB2_1-.Ltmp0, $4  }
0x1a: {  	s24 =	sadd.s32 s19, s9;
	s19 =	smax.u32 s26, $0x1;
	s26 =	sshrl.u32 s25, $0x3  }
0x1b: {  	s23 =	simm.s32 $0x3;
	s25 =	simm.s32 $0x320;
	s0 =	simm.s32 $0x2  }
0x1c: {  	s8 =	sadd.s32 s9, s8;
	s10 =	sadd.s32 $0x96, s24;
	s9 =	sadd.s32 s26, s6  }
0x1d: {  	s26 =	simm.s32 $0x190;
	[dreg:$0xe] =	wrdreg s8;
	s8 =	sadd.s32 $0x320, s12  }
.LBB2_4:
0x1e: {  	[bflag:$0x0] =	sbarrier.arrive $0xFFFF;
	s12 =	simm.s32 $0x10;
	s13 =	simm.s32 $0x8  }
0x1f: {  	[hbm:s17@s12], [sflag:s11] =	dma.strided [spmem:s24@s13], $0x1388, s31, $0x8   }
0x20: {  	s4 =	sadd.s32 $0x1, s4;
	_ =	swait.ge [sflag:s23], $0x1388  }
0x21: {  	p1 =	sne.s32 s4, s19;
	[sflag:s23] =	ssyncset.done $0x0  }
.Ltmp1:
0x22: {  	[sflag:s23] =	ssyncadd.s32 $0xFFFFEC78;
	(pc) =	sbr.rel @!p1 .LBB2_5-.Ltmp1, $4  }
0x23: {  	[hbm:s18], [sflag:s11] =	dma.local [spmem:s7], $0x271  }
0x24: {  	_ =	swait.ge [sflag:s23], $0x271  }
0x25: {  	[sflag:s23] =	ssyncset.done $0x0  }
0x26: {  	[sflag:s23] =	ssyncadd.s32 $0xFFFFFD8F  }
.LBB2_1:
0x27: {  	s7 =	rddreg [dreg:$0x9]  }
0x28: {  	s13 =	rddreg [dreg:$0x6];
	s24 =	sshrl.u32 s7, $0x3  }
0x29: {  	[spmem:s24], [sflag:s11] =	dma.local [hbm:s13], $0x1388  }
0x2a: {  	_ =	swait.ge [sflag:s23], $0x1388  }
0x2b: {  	[sflag:s23] =	ssyncset.done $0x0;
	s14 =	rddreg [dreg:$0xa]  }
0x2c: {  	s12 =	rddreg [dreg:$0x7];
	[sflag:s23] =	ssyncadd.s32 $0xFFFFEC78;
	s7 =	sshrl.u32 s14, $0x3  }
0x2d: {  	[spmem:s7], [sflag:s11] =	dma.local [hbm:s12], $0x271  }
0x2e: {  	_ =	swait.ge [sflag:s23], $0x271  }
0x2f: {  	[sflag:s23] =	ssyncset.done $0x0  }
0x30: {  	s13 =	simm.s32 $0xCE40;
	s15 =	rddreg [dreg:$0x8];
	[sflag:s23] =	ssyncadd.s32 $0xFFFFFD8F  }
0x31: {  	[tilespmem:s13], [sflag:$0x3] =	stream.linear.gather [hbm4b:s15+s5], $0xC80, $0x38;
	[tilespmem:$0x18A88] =	vst v63  }
0x32: {  	_ =	swait.ge [sflag:s23], $0xC80  }
0x33: {  	[sflag:s23] =	ssyncset.done $0x0  }
0x34: {  	[sflag:s23] =	ssyncadd.s32 $0xFFFFF380  }
0x35: {  	[bflag:$0x0] =	sbarrier.arrive $0xFFFF  }
0x36: {  	s16 =	rddreg [dreg:$0xb]  }
0x37: {  	[tilespmem:s5], [sflag:$0x3] =	stream.linear.gather [hbm4b:s16+s5], $0x190, $0x38;
	[tilespmem:$0x18A88] =	vst v63  }
0x38: {  	_ =	swait.ge [sflag:s23], $0x190  }
0x39: {  	[sflag:s23] =	ssyncset.done $0x0  }
0x3a: {  	s20 =	rddreg [dreg:$0xc];
	[sflag:s23] =	ssyncadd.s32 $0xFFFFFE70  }
0x3b: {  	[tilespmem:s25], [sflag:$0x3] =	stream.linear.gather [hbm4b:s20+s5], $0x190, $0x38;
	[tilespmem:$0x18A88] =	vst v63  }
0x3c: {  	_ =	swait.ge [sflag:s23], $0x190  }
0x3d: {  	[sflag:s23] =	ssyncset.done $0x0  }
0x3e: {  	[sflag:s23] =	ssyncadd.s32 $0xFFFFFE70  }
0x3f: {  	[tilespmem:s28], [sflag:$0x1] =	stream.indirect.gather [hbm4b:s1+s26], $0x40, s5, s26, $0xb8;
	[tilespmem:$0x18A88] =	vst v63  }
0x40: {  	s21 =	rddreg [dreg:$0xd]  }
0x41: {  	[tilespmem:s26], [sflag:$0x3] =	stream.linear.gather [hbm4b:s21+s5], $0x190, $0x38;
	[tilespmem:$0x18A88] =	vst v63  }
0x42: {  	_ =	swait.ge [sflag:s23], $0x190  }
0x43: {  	[sflag:s23] =	ssyncset.done $0x0  }
0x44: {  	s22 =	rddreg [dreg:$0xe];
	[sflag:s23] =	ssyncadd.s32 $0xFFFFFE70  }
0x45: {  	[tilespmem:s29], [sflag:$0x3] =	stream.linear.gather [hbm4b:s22+s5], $0x190, $0x38;
	[tilespmem:$0x18A88] =	vst v63  }
0x46: {  	_ =	swait.ge [sflag:s23], $0x190  }
0x47: {  	s12 =	simm.s32 $0x0;
	s20 =	smov.u32 s10;
	[sflag:s23] =	ssyncset.done $0x0  }
0x48: {  	s21 =	smov.u32 s9;
	s22 =	smov.u32 s8;
	[sflag:s23] =	ssyncadd.s32 $0xFFFFFE70  }
0x49: {  	[tilespmem:s30], [sflag:$0x2] =	stream.indirect.gather [hbm4b:s1+s26], $0x40, s26, s26, $0xb8;
	[tilespmem:$0x18A88] =	vst v63  }
.LBB2_2:
0x4a: {  	_ =	swait.ge [sflag:s31], $0x6400  }
0x4b: {  	p1 =	slt.u32 s12, $0xD;
	[sflag:s31] =	ssyncset.done $0x0  }
0x4c: {  	p2 =	por !p1, !p1;
	[sflag:s31] =	ssyncadd.s32 $0xFFFF9C00  }
0x4d: {  	[spmem:s2] =	stream.indirect.scatter.add.f32 [tilespmem:s28], [sflag:$0x3], $0x40, s25, s26, $0xb8;
	[tilespmem:$0x18A88] =	vst v63  }
0x4e: {  	p2 =	por @!p0 p1, p1;
	_ =	swait.ge [sflag:s23], $0x6400  }
0x4f: {  	s13 =	simm.s32 @!p2 $0x190;
	[sflag:s23] =	ssyncset.done $0x0  }
0x50: {  	s14 =	simm.s32 @!p2 $0x320;
	s15 =	simm.s32 @!p2 $0xCE40;
	[sflag:s23] =	ssyncadd.s32 $0xFFFF9C00  }
0x51: {  	[spmem:s3] =	stream.indirect.scatter.add.f32 @!p2 [tilespmem:s15], [sflag:$0x3], $0x8, s14, s13, $0xb8;
	[tilespmem:$0x18A88] =	vst v63  }
0x52: {  	s13 =	simm.s32 @!p2 $0x3  }
0x53: {  	p1 =	seq.s32 s12, $0x18;
	_ =	swait.ge @!p2 [sflag:s13], $0xC80  }
0x54: {  	s14 =	sshrl.u32 @!p1 s22, $0x3;
	[sflag:s13] =	ssyncset.done @!p2 $0x0  }
0x55: {  	[sflag:s13] =	ssyncadd.s32 @!p2 $0xFFFFF380;
	s13 =	sadd.s32 @!p1 s6, s14;
	s14 =	simm.s32 @!p1 $0x0  }
0x56: {  	[tilespmem:s14], [sflag:$0x3] =	stream.linear.gather @!p1 [hbm4b:s13+s14], $0x190, $0x38;
	[tilespmem:$0x18A88] =	vst v63  }
0x57: {  	s13 =	simm.s32 @!p1 $0x3  }
0x58: {  	_ =	swait.ge @!p1 [sflag:s13], $0x190  }
0x59: {  	[sflag:s13] =	ssyncset.done @!p1 $0x0  }
0x5a: {  	s16 =	simm.s32 @!p1 $0x320;
	s15 =	sadd.s32 @!p1 $0xFFFFFFCE, s20;
	[sflag:s13] =	ssyncadd.s32 @!p1 $0xFFFFFE70  }
0x5b: {  	[tilespmem:s16], [sflag:$0x3] =	stream.linear.gather @!p1 [hbm4b:s15+s14], $0x190, $0x38;
	[tilespmem:$0x18A88] =	vst v63  }
0x5c: {  	_ =	swait.ge @!p1 [sflag:s13], $0x190  }
0x5d: {  	[sflag:s13] =	ssyncset.done @!p1 $0x0  }
0x5e: {  	s15 =	simm.s32 @!p1 $0x640;
	[sflag:s13] =	ssyncadd.s32 @!p1 $0xFFFFFE70;
	s13 =	simm.s32 @!p1 $0x190  }
0x5f: {  	[tilespmem:s15], [sflag:$0x1] =	stream.indirect.gather @!p1 [hbm4b:s1+s13], $0x40, s14, s13, $0xb8;
	[tilespmem:$0x18A88] =	vst v63  }
0x60: {  	_ =	swait.ge [sflag:s0], $0x6400  }
0x61: {  	p2 =	slt.u32 s12, $0xC;
	[sflag:s0] =	ssyncset.done $0x0  }
0x62: {  	p3 =	por !p2, !p2;
	[sflag:s0] =	ssyncadd.s32 $0xFFFF9C00  }
0x63: {  	[spmem:s2] =	stream.indirect.scatter.add.f32 [tilespmem:s30], [sflag:$0x3], $0x40, s29, s26, $0xb8;
	[tilespmem:$0x18A88] =	vst v63  }
0x64: {  	p3 =	por @!p0 p2, p2;
	_ =	swait.ge [sflag:s23], $0x6400  }
0x65: {  	s13 =	simm.s32 @!p3 $0x190;
	[sflag:s23] =	ssyncset.done $0x0  }
0x66: {  	s14 =	simm.s32 @!p3 $0x4B0;
	s15 =	simm.s32 @!p3 $0xCE40;
	[sflag:s23] =	ssyncadd.s32 $0xFFFF9C00  }
0x67: {  	[spmem:s3] =	stream.indirect.scatter.add.f32 @!p3 [tilespmem:s15], [sflag:$0x3], $0x8, s14, s13, $0xb8;
	[tilespmem:$0x18A88] =	vst v63  }
.Ltmp2:
0x68: {  	_ = 	snop;
	(pc) =	sbr.rel @p1 .LBB2_4-.Ltmp2, $4  }
0x69: {  	s13 =	simm.s32 @!p3 $0x3  }
0x6a: {  	_ =	swait.ge @!p3 [sflag:s13], $0xC80  }
0x6b: {  	[sflag:s13] =	ssyncset.done @!p3 $0x0  }
0x6c: {  	[sflag:s13] =	ssyncadd.s32 @!p3 $0xFFFFF380  }
0x6d: {  	[tilespmem:s26], [sflag:$0x3] =	stream.linear.gather [hbm4b:s21+s5], $0x190, $0x38;
	[tilespmem:$0x18A88] =	vst v63  }
0x6e: {  	_ =	swait.ge [sflag:s23], $0x190  }
0x6f: {  	[sflag:s23] =	ssyncset.done $0x0  }
0x70: {  	[sflag:s23] =	ssyncadd.s32 $0xFFFFFE70  }
0x71: {  	[tilespmem:s29], [sflag:$0x3] =	stream.linear.gather [hbm4b:s20+s5], $0x190, $0x38;
	[tilespmem:$0x18A88] =	vst v63  }
.Ltmp3:
0x72: {  	_ = 	snop;
	(pc) =	sbr.rel .LBB2_2-.Ltmp3, $4  }
0x73: {  	_ =	swait.ge [sflag:s23], $0x190  }
0x74: {  	s12 =	sadd.s32 $0x1, s12;
	s21 =	sadd.s32 $0x64, s21;
	[sflag:s23] =	ssyncset.done $0x0  }
0x75: {  	s22 =	sadd.s32 $0x320, s22;
	s20 =	sadd.s32 $0x64, s20;
	[sflag:s23] =	ssyncadd.s32 $0xFFFFFE70  }
0x76: {  	[tilespmem:s30], [sflag:$0x2] =	stream.indirect.gather [hbm4b:s1+s26], $0x40, s26, s26, $0xb8;
	[tilespmem:$0x18A88] =	vst v63  }
.LBB2_5:
0x77: {  	_ =	sfence.sel $0x180000  }
0x78: {  	[bflag:$0x0] =	sbarrier.arrive $0xFFFF  }
0x79: {  	_ =	strace $0x90000047  }
0x7a: {  	s0 =	stileid.u32;
	[bflag:$0x2] =	sbarrier.arrive $0xFFFF  }
0x7b: {  	p0 =	sne.s32 s0, $0x0;
	s0 =	rddreg [dreg:$0x5]  }
0x7c: {  	s0 =	sadd.s32 @!p0 $0x100000, s0  }
0x7d: {  	[sflag:s0] =	ssyncadd.tile.s32 @!p0 $0x1;
	_ =	shalt  }
.Lfunc_end2:
_tile_overlayer_lowered:
.L_overlay_start_2:
0x7e: {  	(tag) =	ssettag $0x2  }
0x7f: {  	s0 =	rddreg [dreg:$0x0];
	s2 =	stileid.u32  }
0x80: {  	s1 =	rddreg [dreg:$0x1];
	p0 =	sne.s32 s2, $0x0  }
0x81: {  	s3 =	rddreg [dreg:$0x2];
	[bflag:$0x3] =	sbarrier.arrive $0xFFFF;
	s2 =	simm.s32 @!p0 $0x1C03  }
0x82: {  	[timem:s3], [sflag:s2] =	dma.local @!p0 [hbm:s0], s1  }
0x83: {  	s0 =	simm.s32 @!p0 $0x3  }
0x84: {  	_ =	swait.ge @!p0 [sflag:s0], s1  }
0x85: {  	s1 =	ssub.s32 @!p0 $0x0, s1;
	[sflag:s0] =	ssyncset.done @!p0 $0x0  }
0x86: {  	[sflag:s0] =	ssyncadd.s32 @!p0 s1  }
0x87: {  	[bflag:$0x3] =	sbarrier.arrive $0xFFFF  }
0x88: {  	_ =	shalt  }

</sc_bundles>
